<compile_context>
chip_gen: v7x
topology: tpu7x:2x2x1
jax: 0.10.2.dev20260603
libtpu: 0.0.44.dev20260713+nightly
codegen_flags: <defaults>
</compile_context>

<pallas_src>
import functools

import jax
import jax.numpy as jnp
from jax import lax
from jax.experimental import pallas as pl
from jax.experimental.pallas import tpu as pltpu
from jax.experimental.pallas import tpu_sc as plsc

NC, NS = 2, 16
NW = NC * NS
CB = 128
NBUF = 12
LAG = 6


@functools.partial(jax.jit, static_argnums=(2, 3))
def _gather(idx_w, table, nch, d):
    rpw = nch * CB
    mesh = plsc.VectorSubcoreMesh(core_axis_name="c", subcore_axis_name="s")

    @functools.partial(
        pl.kernel,
        out_type=jax.ShapeDtypeStruct((NW * rpw, d), jnp.float32),
        mesh=mesh,
        scratch_types=[
            pltpu.VMEM((nch, CB), jnp.int32),
            pltpu.VMEM((NBUF, CB, d), jnp.float32),
            pltpu.SemaphoreType.DMA((NBUF,)),
            pltpu.SemaphoreType.DMA((NBUF,)),
        ],
        compiler_params=pltpu.CompilerParams(use_tc_tiling_on_sc=False),
    )
    def k(idx_hbm, table_hbm, out_hbm, idx_v, rows_v, gsem, osem):
        wid = lax.axis_index("s") * NC + lax.axis_index("c")
        pltpu.sync_copy(idx_hbm.at[wid], idx_v)
        base = wid * rpw

        def start_gather(j, slot):
            pltpu.async_copy(
                table_hbm.at[idx_v.at[j]], rows_v.at[slot], gsem.at[slot])

        def drain_chunk(jd, slot):
            pltpu.make_async_copy(
                table_hbm.at[idx_v.at[jd]], rows_v.at[slot], gsem.at[slot]
            ).wait()
            pltpu.async_copy(
                rows_v.at[slot], out_hbm.at[pl.ds(base + jd * CB, CB)],
                osem.at[slot])

        def wait_out(jd, slot):
            pltpu.make_async_copy(
                rows_v.at[slot], out_hbm.at[pl.ds(base + jd * CB, CB)],
                osem.at[slot]
            ).wait()

        for j in range(NBUF):
            start_gather(j, j)
            if j >= LAG:
                drain_chunk(j - LAG, j - LAG)

        def body(j, carry):
            slot = lax.rem(j, NBUF)
            jd = j - NBUF
            wait_out(jd, slot)
            start_gather(j, slot)
            jw = j - LAG
            drain_chunk(jw, lax.rem(jw, NBUF))
            return carry

        lax.fori_loop(NBUF, nch, body, 0)

        for jd in range(nch - LAG, nch):
            drain_chunk(jd, jd % NBUF)
        for jd in range(nch - NBUF, nch):
            wait_out(jd, jd % NBUF)

    return k(idx_w, table)


def kernel(idx, weight):
    b = idx.size
    d = weight.shape[-1]
    nch = b // (NW * CB)
    idx_w = idx.reshape(NW, nch, CB).astype(jnp.int32)
    out = _gather(idx_w, weight, nch, d)
    return out.reshape(idx.shape + (d,))

# --- scband reference (transcript-rebuilt; emitter-appended) ---
"""Pipeline reference for scband-fixed-embedding-75522704933235 (READ-ONLY COPY).

The authoritative reference and input builder live on the scoring server;
editing this copy changes nothing except your own understanding.
"""

import jax, jax.numpy as jnp
import numpy as np

NUM_EMBEDDINGS = 100000
EMBEDDING_DIM = 64


def _make_fixed_table(key):
    W = jax.random.normal(key, (NUM_EMBEDDINGS, EMBEDDING_DIM), dtype=jnp.float32)
    W = W - jnp.mean(W, axis=1, keepdims=True)
    W = W / (jnp.linalg.norm(W, axis=1, keepdims=True) + 1e-08)
    return W


def setup_inputs(seed: int = 0) -> dict:
    key = jax.random.key(seed)
    k_idx, k_w = jax.random.split(key)
    idx = jax.random.randint(k_idx, (4096, 50), 0, NUM_EMBEDDINGS, dtype=jnp.int64 if jax.config.jax_enable_x64 else jnp.int32)
    weight = _make_fixed_table(k_w)
    return {"idx": idx, "weight": weight}


def reference(idx, weight):
    # FixedEmbedding.forward: self.weight[idx]  -> gather rows of the table
    return jnp.take(weight, idx, axis=0)

if __name__ == "__main__":
    import jax
    _d = setup_inputs()
    print(jax.jit(kernel)(*tuple(_d.values())))

</pallas_src>

<mosaic_0001>
#map = affine_map<(d0, d1) -> (0, 0, 0)>
#map1 = affine_map<(d0, d1) -> (0, 0)>
module attributes {stable_mosaic.version = 14 : i64} {
  func.func @k(%arg0: i32, %arg1: i32, %arg2: memref<32x50x128xi32, #tpu.memory_space<hbm>>, %arg3: memref<100000x64xf32, #tpu.memory_space<hbm>>, %arg4: memref<204800x64xf32, #tpu.memory_space<hbm>>, %arg5: memref<50x128xi32, #tpu.memory_space<vmem>>, %arg6: memref<12x128x64xf32, #tpu.memory_space<vmem>>, %arg7: memref<12x!tpu.dma_semaphore, #tpu.memory_space<semaphore_mem>>, %arg8: memref<12x!tpu.dma_semaphore, #tpu.memory_space<semaphore_mem>>) attributes {dimension_semantics = [#tpu.dimension_semantics<core_parallel>, #tpu.dimension_semantics<subcore_parallel>], iteration_bounds = array<i64: 2, 16>, scalar_prefetch = 0 : i64, scratch_operands = 4 : i64, tpu.core_type = #tpu.core_type<sc_vector_subcore>, window_params = [{transform_indices = #map}, {transform_indices = #map1}, {transform_indices = #map1}]} {
    %mul3A = arith.constant 2 : i32
    %mul3A_0 = arith.muli %arg1, %mul3A : i32
    %add3A = arith.addi %mul3A_0, %arg0 : i32
    "tpu.region"() ({
      %run_scoped3A = tpu.sem_alloc : memref<!tpu.dma_semaphore, #tpu.memory_space<semaphore_mem>>
      %dma_start3A_798 = arith.constant 0 : i32
      %dma_start3A_799 = arith.constant 0 : i32
      %dma_start3A_800 = tpu.memref_slice %arg2[%add3A, %dma_start3A_798, %dma_start3A_799] : memref<32x50x128xi32, #tpu.memory_space<hbm>> -> memref<1x50x128xi32, #tpu.memory_space<hbm>>
      %dma_start3A_801 = tpu.memref_squeeze %dma_start3A_800 : memref<1x50x128xi32, #tpu.memory_space<hbm>> -> memref<50x128xi32, #tpu.memory_space<hbm>>
      %dma_start3A_802 = arith.constant 0 : i32
      %dma_start3A_803 = arith.constant 0 : i32
      %dma_start3A_804 = tpu.memref_slice %arg2[%add3A, %dma_start3A_802, %dma_start3A_803] : memref<32x50x128xi32, #tpu.memory_space<hbm>> -> memref<1x50x128xi32, #tpu.memory_space<hbm>>
      %dma_start3A_805 = tpu.memref_squeeze %dma_start3A_804 : memref<1x50x128xi32, #tpu.memory_space<hbm>> -> memref<50x128xi32, #tpu.memory_space<hbm>>
      tpu.enqueue_dma source(%dma_start3A_805 : memref<50x128xi32, #tpu.memory_space<hbm>>) target(%arg5 : memref<50x128xi32, #tpu.memory_space<vmem>>) target_semaphore(%run_scoped3A : memref<!tpu.dma_semaphore, #tpu.memory_space<semaphore_mem>>)
      %dma_wait3A_806 = arith.constant 0 : i32
      %dma_wait3A_807 = arith.constant 0 : i32
      %dma_wait3A_808 = tpu.memref_slice %arg2[%add3A, %dma_wait3A_806, %dma_wait3A_807] : memref<32x50x128xi32, #tpu.memory_space<hbm>> -> memref<1x50x128xi32, #tpu.memory_space<hbm>>
      %dma_wait3A_809 = tpu.memref_squeeze %dma_wait3A_808 : memref<1x50x128xi32, #tpu.memory_space<hbm>> -> memref<50x128xi32, #tpu.memory_space<hbm>>
      %dma_wait3A_810 = arith.constant 0 : i32
      %dma_wait3A_811 = arith.constant 0 : i32
      %dma_wait3A_812 = tpu.memref_slice %arg2[%add3A, %dma_wait3A_810, %dma_wait3A_811] : memref<32x50x128xi32, #tpu.memory_space<hbm>> -> memref<1x50x128xi32, #tpu.memory_space<hbm>>
      %dma_wait3A_813 = tpu.memref_squeeze %dma_wait3A_812 : memref<1x50x128xi32, #tpu.memory_space<hbm>> -> memref<50x128xi32, #tpu.memory_space<hbm>>
      tpu.wait_dma2 semaphore(%run_scoped3A : memref<!tpu.dma_semaphore, #tpu.memory_space<semaphore_mem>>) src(%dma_wait3A_813 : memref<50x128xi32, #tpu.memory_space<hbm>>) dst(%arg5 : memref<50x128xi32, #tpu.memory_space<vmem>>)
      tpu.yield
    }) : () -> ()
    %mul3A_1 = arith.constant 6400 : i32
    %mul3A_2 = arith.muli %add3A, %mul3A_1 : i32
    %dma_start3A = arith.constant 0 : i32
    %dma_start3A_3 = arith.constant 0 : i32
    %dma_start3A_4 = arith.constant 0 : i32
    %dma_start3A_5 = arith.constant 0 : i32
    %dma_start3A_6 = arith.constant 0 : i32
    %dma_start3A_7 = tpu.memref_slice %arg6[%dma_start3A_3, %dma_start3A_5, %dma_start3A_6] : memref<12x128x64xf32, #tpu.memory_space<vmem>> -> memref<1x128x64xf32, #tpu.memory_space<vmem>>
    %dma_start3A_8 = tpu.memref_squeeze %dma_start3A_7 : memref<1x128x64xf32, #tpu.memory_space<vmem>> -> memref<128x64xf32, #tpu.memory_space<vmem>>
    %dma_start3A_9 = arith.constant 0 : i32
    %dma_start3A_10 = tpu.memref_slice %arg5[%dma_start3A, %dma_start3A_9] : memref<50x128xi32, #tpu.memory_space<vmem>> -> memref<1x128xi32, #tpu.memory_space<vmem>>
    %dma_start3A_11 = tpu.memref_squeeze %dma_start3A_10 : memref<1x128xi32, #tpu.memory_space<vmem>> -> memref<128xi32, #tpu.memory_space<vmem>>
    %dma_start3A_12 = arith.constant 0 : i32
    %dma_start3A_13 = arith.constant 0 : i32
    %dma_start3A_14 = tpu.memref_slice %arg3[%dma_start3A_12, %dma_start3A_13] : memref<100000x64xf32, #tpu.memory_space<hbm>> -> memref<100000x64xf32, #tpu.memory_space<hbm>>
    %dma_start3A_15 = tpu.memref_slice %arg7[%dma_start3A_4] : memref<12x!tpu.dma_semaphore, #tpu.memory_space<semaphore_mem>> -> memref<1x!tpu.dma_semaphore, #tpu.memory_space<semaphore_mem>>
    %dma_start3A_16 = tpu.memref_squeeze %dma_start3A_15 : memref<1x!tpu.dma_semaphore, #tpu.memory_space<semaphore_mem>> -> memref<!tpu.dma_semaphore, #tpu.memory_space<semaphore_mem>>
    tpu.enqueue_indirect_dma source(%dma_start3A_14 : memref<100000x64xf32, #tpu.memory_space<hbm>>) target(%dma_start3A_8 : memref<128x64xf32, #tpu.memory_space<vmem>>) offsets(%dma_start3A_11 : memref<128xi32, #tpu.memory_space<vmem>>) semaphore(%dma_start3A_16 : memref<!tpu.dma_semaphore, #tpu.memory_space<semaphore_mem>>)
    %dma_start3A_17 = arith.constant 1 : i32
    %dma_start3A_18 = arith.constant 1 : i32
    %dma_start3A_19 = arith.constant 1 : i32
    %dma_start3A_20 = arith.constant 0 : i32
    %dma_start3A_21 = arith.constant 0 : i32
    %dma_start3A_22 = tpu.memref_slice %arg6[%dma_start3A_18, %dma_start3A_20, %dma_start3A_21] : memref<12x128x64xf32, #tpu.memory_space<vmem>> -> memref<1x128x64xf32, #tpu.memory_space<vmem>>
    %dma_start3A_23 = tpu.memref_squeeze %dma_start3A_22 : memref<1x128x64xf32, #tpu.memory_space<vmem>> -> memref<128x64xf32, #tpu.memory_space<vmem>>
    %dma_start3A_24 = arith.constant 0 : i32
    %dma_start3A_25 = tpu.memref_slice %arg5[%dma_start3A_17, %dma_start3A_24] : memref<50x128xi32, #tpu.memory_space<vmem>> -> memref<1x128xi32, #tpu.memory_space<vmem>>
    %dma_start3A_26 = tpu.memref_squeeze %dma_start3A_25 : memref<1x128xi32, #tpu.memory_space<vmem>> -> memref<128xi32, #tpu.memory_space<vmem>>
    %dma_start3A_27 = arith.constant 0 : i32
    %dma_start3A_28 = arith.constant 0 : i32
    %dma_start3A_29 = tpu.memref_slice %arg3[%dma_start3A_27, %dma_start3A_28] : memref<100000x64xf32, #tpu.memory_space<hbm>> -> memref<100000x64xf32, #tpu.memory_space<hbm>>
    %dma_start3A_30 = tpu.memref_slice %arg7[%dma_start3A_19] : memref<12x!tpu.dma_semaphore, #tpu.memory_space<semaphore_mem>> -> memref<1x!tpu.dma_semaphore, #tpu.memory_space<semaphore_mem>>
    %dma_start3A_31 = tpu.memref_squeeze %dma_start3A_30 : memref<1x!tpu.dma_semaphore, #tpu.memory_space<semaphore_mem>> -> memref<!tpu.dma_semaphore, #tpu.memory_space<semaphore_mem>>
    tpu.enqueue_indirect_dma source(%dma_start3A_29 : memref<100000x64xf32, #tpu.memory_space<hbm>>) target(%dma_start3A_23 : memref<128x64xf32, #tpu.memory_space<vmem>>) offsets(%dma_start3A_26 : memref<128xi32, #tpu.memory_space<vmem>>) semaphore(%dma_start3A_31 : memref<!tpu.dma_semaphore, #tpu.memory_space<semaphore_mem>>)
    %dma_start3A_32 = arith.constant 2 : i32
    %dma_start3A_33 = arith.constant 2 : i32
    %dma_start3A_34 = arith.constant 2 : i32
    %dma_start3A_35 = arith.constant 0 : i32
    %dma_start3A_36 = arith.constant 0 : i32
    %dma_start3A_37 = tpu.memref_slice %arg6[%dma_start3A_33, %dma_start3A_35, %dma_start3A_36] : memref<12x128x64xf32, #tpu.memory_space<vmem>> -> memref<1x128x64xf32, #tpu.memory_space<vmem>>
    %dma_start3A_38 = tpu.memref_squeeze %dma_start3A_37 : memref<1x128x64xf32, #tpu.memory_space<vmem>> -> memref<128x64xf32, #tpu.memory_space<vmem>>
    %dma_start3A_39 = arith.constant 0 : i32
    %dma_start3A_40 = tpu.memref_slice %arg5[%dma_start3A_32, %dma_start3A_39] : memref<50x128xi32, #tpu.memory_space<vmem>> -> memref<1x128xi32, #tpu.memory_space<vmem>>
    %dma_start3A_41 = tpu.memref_squeeze %dma_start3A_40 : memref<1x128xi32, #tpu.memory_space<vmem>> -> memref<128xi32, #tpu.memory_space<vmem>>
    %dma_start3A_42 = arith.constant 0 : i32
    %dma_start3A_43 = arith.constant 0 : i32
    %dma_start3A_44 = tpu.memref_slice %arg3[%dma_start3A_42, %dma_start3A_43] : memref<100000x64xf32, #tpu.memory_space<hbm>> -> memref<100000x64xf32, #tpu.memory_space<hbm>>
    %dma_start3A_45 = tpu.memref_slice %arg7[%dma_start3A_34] : memref<12x!tpu.dma_semaphore, #tpu.memory_space<semaphore_mem>> -> memref<1x!tpu.dma_semaphore, #tpu.memory_space<semaphore_mem>>
    %dma_start3A_46 = tpu.memref_squeeze %dma_start3A_45 : memref<1x!tpu.dma_semaphore, #tpu.memory_space<semaphore_mem>> -> memref<!tpu.dma_semaphore, #tpu.memory_space<semaphore_mem>>
    tpu.enqueue_indirect_dma source(%dma_start3A_44 : memref<100000x64xf32, #tpu.memory_space<hbm>>) target(%dma_start3A_38 : memref<128x64xf32, #tpu.memory_space<vmem>>) offsets(%dma_start3A_41 : memref<128xi32, #tpu.memory_space<vmem>>) semaphore(%dma_start3A_46 : memref<!tpu.dma_semaphore, #tpu.memory_space<semaphore_mem>>)
    %dma_start3A_47 = arith.constant 3 : i32
    %dma_start3A_48 = arith.constant 3 : i32
    %dma_start3A_49 = arith.constant 3 : i32
    %dma_start3A_50 = arith.constant 0 : i32
    %dma_start3A_51 = arith.constant 0 : i32
    %dma_start3A_52 = tpu.memref_slice %arg6[%dma_start3A_48, %dma_start3A_50, %dma_start3A_51] : memref<12x128x64xf32, #tpu.memory_space<vmem>> -> memref<1x128x64xf32, #tpu.memory_space<vmem>>
    %dma_start3A_53 = tpu.memref_squeeze %dma_start3A_52 : memref<1x128x64xf32, #tpu.memory_space<vmem>> -> memref<128x64xf32, #tpu.memory_space<vmem>>
    %dma_start3A_54 = arith.constant 0 : i32
    %dma_start3A_55 = tpu.memref_slice %arg5[%dma_start3A_47, %dma_start3A_54] : memref<50x128xi32, #tpu.memory_space<vmem>> -> memref<1x128xi32, #tpu.memory_space<vmem>>
    %dma_start3A_56 = tpu.memref_squeeze %dma_start3A_55 : memref<1x128xi32, #tpu.memory_space<vmem>> -> memref<128xi32, #tpu.memory_space<vmem>>
    %dma_start3A_57 = arith.constant 0 : i32
    %dma_start3A_58 = arith.constant 0 : i32
    %dma_start3A_59 = tpu.memref_slice %arg3[%dma_start3A_57, %dma_start3A_58] : memref<100000x64xf32, #tpu.memory_space<hbm>> -> memref<100000x64xf32, #tpu.memory_space<hbm>>
    %dma_start3A_60 = tpu.memref_slice %arg7[%dma_start3A_49] : memref<12x!tpu.dma_semaphore, #tpu.memory_space<semaphore_mem>> -> memref<1x!tpu.dma_semaphore, #tpu.memory_space<semaphore_mem>>
    %dma_start3A_61 = tpu.memref_squeeze %dma_start3A_60 : memref<1x!tpu.dma_semaphore, #tpu.memory_space<semaphore_mem>> -> memref<!tpu.dma_semaphore, #tpu.memory_space<semaphore_mem>>
    tpu.enqueue_indirect_dma source(%dma_start3A_59 : memref<100000x64xf32, #tpu.memory_space<hbm>>) target(%dma_start3A_53 : memref<128x64xf32, #tpu.memory_space<vmem>>) offsets(%dma_start3A_56 : memref<128xi32, #tpu.memory_space<vmem>>) semaphore(%dma_start3A_61 : memref<!tpu.dma_semaphore, #tpu.memory_space<semaphore_mem>>)
    %dma_start3A_62 = arith.constant 4 : i32
    %dma_start3A_63 = arith.constant 4 : i32
    %dma_start3A_64 = arith.constant 4 : i32
    %dma_start3A_65 = arith.constant 0 : i32
    %dma_start3A_66 = arith.constant 0 : i32
    %dma_start3A_67 = tpu.memref_slice %arg6[%dma_start3A_63, %dma_start3A_65, %dma_start3A_66] : memref<12x128x64xf32, #tpu.memory_space<vmem>> -> memref<1x128x64xf32, #tpu.memory_space<vmem>>
    %dma_start3A_68 = tpu.memref_squeeze %dma_start3A_67 : memref<1x128x64xf32, #tpu.memory_space<vmem>> -> memref<128x64xf32, #tpu.memory_space<vmem>>
    %dma_start3A_69 = arith.constant 0 : i32
    %dma_start3A_70 = tpu.memref_slice %arg5[%dma_start3A_62, %dma_start3A_69] : memref<50x128xi32, #tpu.memory_space<vmem>> -> memref<1x128xi32, #tpu.memory_space<vmem>>
    %dma_start3A_71 = tpu.memref_squeeze %dma_start3A_70 : memref<1x128xi32, #tpu.memory_space<vmem>> -> memref<128xi32, #tpu.memory_space<vmem>>
    %dma_start3A_72 = arith.constant 0 : i32
    %dma_start3A_73 = arith.constant 0 : i32
    %dma_start3A_74 = tpu.memref_slice %arg3[%dma_start3A_72, %dma_start3A_73] : memref<100000x64xf32, #tpu.memory_space<hbm>> -> memref<100000x64xf32, #tpu.memory_space<hbm>>
    %dma_start3A_75 = tpu.memref_slice %arg7[%dma_start3A_64] : memref<12x!tpu.dma_semaphore, #tpu.memory_space<semaphore_mem>> -> memref<1x!tpu.dma_semaphore, #tpu.memory_space<semaphore_mem>>
    %dma_start3A_76 = tpu.memref_squeeze %dma_start3A_75 : memref<1x!tpu.dma_semaphore, #tpu.memory_space<semaphore_mem>> -> memref<!tpu.dma_semaphore, #tpu.memory_space<semaphore_mem>>
    tpu.enqueue_indirect_dma source(%dma_start3A_74 : memref<100000x64xf32, #tpu.memory_space<hbm>>) target(%dma_start3A_68 : memref<128x64xf32, #tpu.memory_space<vmem>>) offsets(%dma_start3A_71 : memref<128xi32, #tpu.memory_space<vmem>>) semaphore(%dma_start3A_76 : memref<!tpu.dma_semaphore, #tpu.memory_space<semaphore_mem>>)
    %dma_start3A_77 = arith.constant 5 : i32
    %dma_start3A_78 = arith.constant 5 : i32
    %dma_start3A_79 = arith.constant 5 : i32
    %dma_start3A_80 = arith.constant 0 : i32
    %dma_start3A_81 = arith.constant 0 : i32
    %dma_start3A_82 = tpu.memref_slice %arg6[%dma_start3A_78, %dma_start3A_80, %dma_start3A_81] : memref<12x128x64xf32, #tpu.memory_space<vmem>> -> memref<1x128x64xf32, #tpu.memory_space<vmem>>
    %dma_start3A_83 = tpu.memref_squeeze %dma_start3A_82 : memref<1x128x64xf32, #tpu.memory_space<vmem>> -> memref<128x64xf32, #tpu.memory_space<vmem>>
    %dma_start3A_84 = arith.constant 0 : i32
    %dma_start3A_85 = tpu.memref_slice %arg5[%dma_start3A_77, %dma_start3A_84] : memref<50x128xi32, #tpu.memory_space<vmem>> -> memref<1x128xi32, #tpu.memory_space<vmem>>
    %dma_start3A_86 = tpu.memref_squeeze %dma_start3A_85 : memref<1x128xi32, #tpu.memory_space<vmem>> -> memref<128xi32, #tpu.memory_space<vmem>>
    %dma_start3A_87 = arith.constant 0 : i32
    %dma_start3A_88 = arith.constant 0 : i32
    %dma_start3A_89 = tpu.memref_slice %arg3[%dma_start3A_87, %dma_start3A_88] : memref<100000x64xf32, #tpu.memory_space<hbm>> -> memref<100000x64xf32, #tpu.memory_space<hbm>>
    %dma_start3A_90 = tpu.memref_slice %arg7[%dma_start3A_79] : memref<12x!tpu.dma_semaphore, #tpu.memory_space<semaphore_mem>> -> memref<1x!tpu.dma_semaphore, #tpu.memory_space<semaphore_mem>>
    %dma_start3A_91 = tpu.memref_squeeze %dma_start3A_90 : memref<1x!tpu.dma_semaphore, #tpu.memory_space<semaphore_mem>> -> memref<!tpu.dma_semaphore, #tpu.memory_space<semaphore_mem>>
    tpu.enqueue_indirect_dma source(%dma_start3A_89 : memref<100000x64xf32, #tpu.memory_space<hbm>>) target(%dma_start3A_83 : memref<128x64xf32, #tpu.memory_space<vmem>>) offsets(%dma_start3A_86 : memref<128xi32, #tpu.memory_space<vmem>>) semaphore(%dma_start3A_91 : memref<!tpu.dma_semaphore, #tpu.memory_space<semaphore_mem>>)
    %dma_start3A_92 = arith.constant 6 : i32
    %dma_start3A_93 = arith.constant 6 : i32
    %dma_start3A_94 = arith.constant 6 : i32
    %dma_start3A_95 = arith.constant 0 : i32
    %dma_start3A_96 = arith.constant 0 : i32
    %dma_start3A_97 = tpu.memref_slice %arg6[%dma_start3A_93, %dma_start3A_95, %dma_start3A_96] : memref<12x128x64xf32, #tpu.memory_space<vmem>> -> memref<1x128x64xf32, #tpu.memory_space<vmem>>
    %dma_start3A_98 = tpu.memref_squeeze %dma_start3A_97 : memref<1x128x64xf32, #tpu.memory_space<vmem>> -> memref<128x64xf32, #tpu.memory_space<vmem>>
    %dma_start3A_99 = arith.constant 0 : i32
    %dma_start3A_100 = tpu.memref_slice %arg5[%dma_start3A_92, %dma_start3A_99] : memref<50x128xi32, #tpu.memory_space<vmem>> -> memref<1x128xi32, #tpu.memory_space<vmem>>
    %dma_start3A_101 = tpu.memref_squeeze %dma_start3A_100 : memref<1x128xi32, #tpu.memory_space<vmem>> -> memref<128xi32, #tpu.memory_space<vmem>>
    %dma_start3A_102 = arith.constant 0 : i32
    %dma_start3A_103 = arith.constant 0 : i32
    %dma_start3A_104 = tpu.memref_slice %arg3[%dma_start3A_102, %dma_start3A_103] : memref<100000x64xf32, #tpu.memory_space<hbm>> -> memref<100000x64xf32, #tpu.memory_space<hbm>>
    %dma_start3A_105 = tpu.memref_slice %arg7[%dma_start3A_94] : memref<12x!tpu.dma_semaphore, #tpu.memory_space<semaphore_mem>> -> memref<1x!tpu.dma_semaphore, #tpu.memory_space<semaphore_mem>>
    %dma_start3A_106 = tpu.memref_squeeze %dma_start3A_105 : memref<1x!tpu.dma_semaphore, #tpu.memory_space<semaphore_mem>> -> memref<!tpu.dma_semaphore, #tpu.memory_space<semaphore_mem>>
    tpu.enqueue_indirect_dma source(%dma_start3A_104 : memref<100000x64xf32, #tpu.memory_space<hbm>>) target(%dma_start3A_98 : memref<128x64xf32, #tpu.memory_space<vmem>>) offsets(%dma_start3A_101 : memref<128xi32, #tpu.memory_space<vmem>>) semaphore(%dma_start3A_106 : memref<!tpu.dma_semaphore, #tpu.memory_space<semaphore_mem>>)
    %dma_wait3A = arith.constant 0 : i32
    %dma_wait3A_107 = arith.constant 0 : i32
    %dma_wait3A_108 = arith.constant 0 : i32
    %dma_wait3A_109 = arith.constant 0 : i32
    %dma_wait3A_110 = arith.constant 0 : i32
    %dma_wait3A_111 = tpu.memref_slice %arg6[%dma_wait3A_107, %dma_wait3A_109, %dma_wait3A_110] : memref<12x128x64xf32, #tpu.memory_space<vmem>> -> memref<1x128x64xf32, #tpu.memory_space<vmem>>
    %dma_wait3A_112 = tpu.memref_squeeze %dma_wait3A_111 : memref<1x128x64xf32, #tpu.memory_space<vmem>> -> memref<128x64xf32, #tpu.memory_space<vmem>>
    %dma_wait3A_113 = arith.constant 0 : i32
    %dma_wait3A_114 = tpu.memref_slice %arg5[%dma_wait3A, %dma_wait3A_113] : memref<50x128xi32, #tpu.memory_space<vmem>> -> memref<1x128xi32, #tpu.memory_space<vmem>>
    %dma_wait3A_115 = tpu.memref_squeeze %dma_wait3A_114 : memref<1x128xi32, #tpu.memory_space<vmem>> -> memref<128xi32, #tpu.memory_space<vmem>>
    %dma_wait3A_116 = arith.constant 0 : i32
    %dma_wait3A_117 = arith.constant 0 : i32
    %dma_wait3A_118 = tpu.memref_slice %arg3[%dma_wait3A_116, %dma_wait3A_117] : memref<100000x64xf32, #tpu.memory_space<hbm>> -> memref<100000x64xf32, #tpu.memory_space<hbm>>
    %dma_wait3A_119 = tpu.memref_slice %arg7[%dma_wait3A_108] : memref<12x!tpu.dma_semaphore, #tpu.memory_space<semaphore_mem>> -> memref<1x!tpu.dma_semaphore, #tpu.memory_space<semaphore_mem>>
    %dma_wait3A_120 = tpu.memref_squeeze %dma_wait3A_119 : memref<1x!tpu.dma_semaphore, #tpu.memory_space<semaphore_mem>> -> memref<!tpu.dma_semaphore, #tpu.memory_space<semaphore_mem>>
    tpu.wait_indirect_dma semaphore(%dma_wait3A_120 : memref<!tpu.dma_semaphore, #tpu.memory_space<semaphore_mem>>) src(%dma_wait3A_118 : memref<100000x64xf32, #tpu.memory_space<hbm>>) dst(%dma_wait3A_112 : memref<128x64xf32, #tpu.memory_space<vmem>>)
    %add3A_121 = arith.constant 0 : i32
    %add3A_122 = arith.addi %mul3A_2, %add3A_121 : i32
    %dma_start3A_123 = arith.constant 0 : i32
    %dma_start3A_124 = arith.constant 0 : i32
    %dma_start3A_125 = arith.constant 0 : i32
    %dma_start3A_126 = arith.constant 0 : i32
    %dma_start3A_127 = tpu.memref_slice %arg6[%dma_start3A_123, %dma_start3A_125, %dma_start3A_126] : memref<12x128x64xf32, #tpu.memory_space<vmem>> -> memref<1x128x64xf32, #tpu.memory_space<vmem>>
    %dma_start3A_128 = tpu.memref_squeeze %dma_start3A_127 : memref<1x128x64xf32, #tpu.memory_space<vmem>> -> memref<128x64xf32, #tpu.memory_space<vmem>>
    %dma_start3A_129 = arith.constant 0 : i32
    %dma_start3A_130 = tpu.memref_slice %arg4[%add3A_122, %dma_start3A_129] : memref<204800x64xf32, #tpu.memory_space<hbm>> -> memref<128x64xf32, #tpu.memory_space<hbm>>
    %dma_start3A_131 = tpu.memref_slice %arg8[%dma_start3A_124] : memref<12x!tpu.dma_semaphore, #tpu.memory_space<semaphore_mem>> -> memref<1x!tpu.dma_semaphore, #tpu.memory_space<semaphore_mem>>
    %dma_start3A_132 = tpu.memref_squeeze %dma_start3A_131 : memref<1x!tpu.dma_semaphore, #tpu.memory_space<semaphore_mem>> -> memref<!tpu.dma_semaphore, #tpu.memory_space<semaphore_mem>>
    %dma_start3A_133 = arith.constant 0 : i32
    %dma_start3A_134 = tpu.memref_slice %arg4[%add3A_122, %dma_start3A_133] : memref<204800x64xf32, #tpu.memory_space<hbm>> -> memref<128x64xf32, #tpu.memory_space<hbm>>
    %dma_start3A_135 = arith.constant 0 : i32
    %dma_start3A_136 = arith.constant 0 : i32
    %dma_start3A_137 = tpu.memref_slice %arg6[%dma_start3A_123, %dma_start3A_135, %dma_start3A_136] : memref<12x128x64xf32, #tpu.memory_space<vmem>> -> memref<1x128x64xf32, #tpu.memory_space<vmem>>
    %dma_start3A_138 = tpu.memref_squeeze %dma_start3A_137 : memref<1x128x64xf32, #tpu.memory_space<vmem>> -> memref<128x64xf32, #tpu.memory_space<vmem>>
    tpu.enqueue_dma source(%dma_start3A_138 : memref<128x64xf32, #tpu.memory_space<vmem>>) target(%dma_start3A_134 : memref<128x64xf32, #tpu.memory_space<hbm>>) target_semaphore(%dma_start3A_132 : memref<!tpu.dma_semaphore, #tpu.memory_space<semaphore_mem>>)
    %dma_start3A_139 = arith.constant 7 : i32
    %dma_start3A_140 = arith.constant 7 : i32
    %dma_start3A_141 = arith.constant 7 : i32
    %dma_start3A_142 = arith.constant 0 : i32
    %dma_start3A_143 = arith.constant 0 : i32
    %dma_start3A_144 = tpu.memref_slice %arg6[%dma_start3A_140, %dma_start3A_142, %dma_start3A_143] : memref<12x128x64xf32, #tpu.memory_space<vmem>> -> memref<1x128x64xf32, #tpu.memory_space<vmem>>
    %dma_start3A_145 = tpu.memref_squeeze %dma_start3A_144 : memref<1x128x64xf32, #tpu.memory_space<vmem>> -> memref<128x64xf32, #tpu.memory_space<vmem>>
    %dma_start3A_146 = arith.constant 0 : i32
    %dma_start3A_147 = tpu.memref_slice %arg5[%dma_start3A_139, %dma_start3A_146] : memref<50x128xi32, #tpu.memory_space<vmem>> -> memref<1x128xi32, #tpu.memory_space<vmem>>
    %dma_start3A_148 = tpu.memref_squeeze %dma_start3A_147 : memref<1x128xi32, #tpu.memory_space<vmem>> -> memref<128xi32, #tpu.memory_space<vmem>>
    %dma_start3A_149 = arith.constant 0 : i32
    %dma_start3A_150 = arith.constant 0 : i32
    %dma_start3A_151 = tpu.memref_slice %arg3[%dma_start3A_149, %dma_start3A_150] : memref<100000x64xf32, #tpu.memory_space<hbm>> -> memref<100000x64xf32, #tpu.memory_space<hbm>>
    %dma_start3A_152 = tpu.memref_slice %arg7[%dma_start3A_141] : memref<12x!tpu.dma_semaphore, #tpu.memory_space<semaphore_mem>> -> memref<1x!tpu.dma_semaphore, #tpu.memory_space<semaphore_mem>>
    %dma_start3A_153 = tpu.memref_squeeze %dma_start3A_152 : memref<1x!tpu.dma_semaphore, #tpu.memory_space<semaphore_mem>> -> memref<!tpu.dma_semaphore, #tpu.memory_space<semaphore_mem>>
    tpu.enqueue_indirect_dma source(%dma_start3A_151 : memref<100000x64xf32, #tpu.memory_space<hbm>>) target(%dma_start3A_145 : memref<128x64xf32, #tpu.memory_space<vmem>>) offsets(%dma_start3A_148 : memref<128xi32, #tpu.memory_space<vmem>>) semaphore(%dma_start3A_153 : memref<!tpu.dma_semaphore, #tpu.memory_space<semaphore_mem>>)
    %dma_wait3A_154 = arith.constant 1 : i32
    %dma_wait3A_155 = arith.constant 1 : i32
    %dma_wait3A_156 = arith.constant 1 : i32
    %dma_wait3A_157 = arith.constant 0 : i32
    %dma_wait3A_158 = arith.constant 0 : i32
    %dma_wait3A_159 = tpu.memref_slice %arg6[%dma_wait3A_155, %dma_wait3A_157, %dma_wait3A_158] : memref<12x128x64xf32, #tpu.memory_space<vmem>> -> memref<1x128x64xf32, #tpu.memory_space<vmem>>
    %dma_wait3A_160 = tpu.memref_squeeze %dma_wait3A_159 : memref<1x128x64xf32, #tpu.memory_space<vmem>> -> memref<128x64xf32, #tpu.memory_space<vmem>>
    %dma_wait3A_161 = arith.constant 0 : i32
    %dma_wait3A_162 = tpu.memref_slice %arg5[%dma_wait3A_154, %dma_wait3A_161] : memref<50x128xi32, #tpu.memory_space<vmem>> -> memref<1x128xi32, #tpu.memory_space<vmem>>
    %dma_wait3A_163 = tpu.memref_squeeze %dma_wait3A_162 : memref<1x128xi32, #tpu.memory_space<vmem>> -> memref<128xi32, #tpu.memory_space<vmem>>
    %dma_wait3A_164 = arith.constant 0 : i32
    %dma_wait3A_165 = arith.constant 0 : i32
    %dma_wait3A_166 = tpu.memref_slice %arg3[%dma_wait3A_164, %dma_wait3A_165] : memref<100000x64xf32, #tpu.memory_space<hbm>> -> memref<100000x64xf32, #tpu.memory_space<hbm>>
    %dma_wait3A_167 = tpu.memref_slice %arg7[%dma_wait3A_156] : memref<12x!tpu.dma_semaphore, #tpu.memory_space<semaphore_mem>> -> memref<1x!tpu.dma_semaphore, #tpu.memory_space<semaphore_mem>>
    %dma_wait3A_168 = tpu.memref_squeeze %dma_wait3A_167 : memref<1x!tpu.dma_semaphore, #tpu.memory_space<semaphore_mem>> -> memref<!tpu.dma_semaphore, #tpu.memory_space<semaphore_mem>>
    tpu.wait_indirect_dma semaphore(%dma_wait3A_168 : memref<!tpu.dma_semaphore, #tpu.memory_space<semaphore_mem>>) src(%dma_wait3A_166 : memref<100000x64xf32, #tpu.memory_space<hbm>>) dst(%dma_wait3A_160 : memref<128x64xf32, #tpu.memory_space<vmem>>)
    %add3A_169 = arith.constant 128 : i32
    %add3A_170 = arith.addi %mul3A_2, %add3A_169 : i32
    %dma_start3A_171 = arith.constant 1 : i32
    %dma_start3A_172 = arith.constant 1 : i32
    %dma_start3A_173 = arith.constant 0 : i32
    %dma_start3A_174 = arith.constant 0 : i32
    %dma_start3A_175 = tpu.memref_slice %arg6[%dma_start3A_171, %dma_start3A_173, %dma_start3A_174] : memref<12x128x64xf32, #tpu.memory_space<vmem>> -> memref<1x128x64xf32, #tpu.memory_space<vmem>>
    %dma_start3A_176 = tpu.memref_squeeze %dma_start3A_175 : memref<1x128x64xf32, #tpu.memory_space<vmem>> -> memref<128x64xf32, #tpu.memory_space<vmem>>
    %dma_start3A_177 = arith.constant 0 : i32
    %dma_start3A_178 = tpu.memref_slice %arg4[%add3A_170, %dma_start3A_177] : memref<204800x64xf32, #tpu.memory_space<hbm>> -> memref<128x64xf32, #tpu.memory_space<hbm>>
    %dma_start3A_179 = tpu.memref_slice %arg8[%dma_start3A_172] : memref<12x!tpu.dma_semaphore, #tpu.memory_space<semaphore_mem>> -> memref<1x!tpu.dma_semaphore, #tpu.memory_space<semaphore_mem>>
    %dma_start3A_180 = tpu.memref_squeeze %dma_start3A_179 : memref<1x!tpu.dma_semaphore, #tpu.memory_space<semaphore_mem>> -> memref<!tpu.dma_semaphore, #tpu.memory_space<semaphore_mem>>
    %dma_start3A_181 = arith.constant 0 : i32
    %dma_start3A_182 = tpu.memref_slice %arg4[%add3A_170, %dma_start3A_181] : memref<204800x64xf32, #tpu.memory_space<hbm>> -> memref<128x64xf32, #tpu.memory_space<hbm>>
    %dma_start3A_183 = arith.constant 0 : i32
    %dma_start3A_184 = arith.constant 0 : i32
    %dma_start3A_185 = tpu.memref_slice %arg6[%dma_start3A_171, %dma_start3A_183, %dma_start3A_184] : memref<12x128x64xf32, #tpu.memory_space<vmem>> -> memref<1x128x64xf32, #tpu.memory_space<vmem>>
    %dma_start3A_186 = tpu.memref_squeeze %dma_start3A_185 : memref<1x128x64xf32, #tpu.memory_space<vmem>> -> memref<128x64xf32, #tpu.memory_space<vmem>>
    tpu.enqueue_dma source(%dma_start3A_186 : memref<128x64xf32, #tpu.memory_space<vmem>>) target(%dma_start3A_182 : memref<128x64xf32, #tpu.memory_space<hbm>>) target_semaphore(%dma_start3A_180 : memref<!tpu.dma_semaphore, #tpu.memory_space<semaphore_mem>>)
    %dma_start3A_187 = arith.constant 8 : i32
    %dma_start3A_188 = arith.constant 8 : i32
    %dma_start3A_189 = arith.constant 8 : i32
    %dma_start3A_190 = arith.constant 0 : i32
    %dma_start3A_191 = arith.constant 0 : i32
    %dma_start3A_192 = tpu.memref_slice %arg6[%dma_start3A_188, %dma_start3A_190, %dma_start3A_191] : memref<12x128x64xf32, #tpu.memory_space<vmem>> -> memref<1x128x64xf32, #tpu.memory_space<vmem>>
    %dma_start3A_193 = tpu.memref_squeeze %dma_start3A_192 : memref<1x128x64xf32, #tpu.memory_space<vmem>> -> memref<128x64xf32, #tpu.memory_space<vmem>>
    %dma_start3A_194 = arith.constant 0 : i32
    %dma_start3A_195 = tpu.memref_slice %arg5[%dma_start3A_187, %dma_start3A_194] : memref<50x128xi32, #tpu.memory_space<vmem>> -> memref<1x128xi32, #tpu.memory_space<vmem>>
    %dma_start3A_196 = tpu.memref_squeeze %dma_start3A_195 : memref<1x128xi32, #tpu.memory_space<vmem>> -> memref<128xi32, #tpu.memory_space<vmem>>
    %dma_start3A_197 = arith.constant 0 : i32
    %dma_start3A_198 = arith.constant 0 : i32
    %dma_start3A_199 = tpu.memref_slice %arg3[%dma_start3A_197, %dma_start3A_198] : memref<100000x64xf32, #tpu.memory_space<hbm>> -> memref<100000x64xf32, #tpu.memory_space<hbm>>
    %dma_start3A_200 = tpu.memref_slice %arg7[%dma_start3A_189] : memref<12x!tpu.dma_semaphore, #tpu.memory_space<semaphore_mem>> -> memref<1x!tpu.dma_semaphore, #tpu.memory_space<semaphore_mem>>
    %dma_start3A_201 = tpu.memref_squeeze %dma_start3A_200 : memref<1x!tpu.dma_semaphore, #tpu.memory_space<semaphore_mem>> -> memref<!tpu.dma_semaphore, #tpu.memory_space<semaphore_mem>>
    tpu.enqueue_indirect_dma source(%dma_start3A_199 : memref<100000x64xf32, #tpu.memory_space<hbm>>) target(%dma_start3A_193 : memref<128x64xf32, #tpu.memory_space<vmem>>) offsets(%dma_start3A_196 : memref<128xi32, #tpu.memory_space<vmem>>) semaphore(%dma_start3A_201 : memref<!tpu.dma_semaphore, #tpu.memory_space<semaphore_mem>>)
    %dma_wait3A_202 = arith.constant 2 : i32
    %dma_wait3A_203 = arith.constant 2 : i32
    %dma_wait3A_204 = arith.constant 2 : i32
    %dma_wait3A_205 = arith.constant 0 : i32
    %dma_wait3A_206 = arith.constant 0 : i32
    %dma_wait3A_207 = tpu.memref_slice %arg6[%dma_wait3A_203, %dma_wait3A_205, %dma_wait3A_206] : memref<12x128x64xf32, #tpu.memory_space<vmem>> -> memref<1x128x64xf32, #tpu.memory_space<vmem>>
    %dma_wait3A_208 = tpu.memref_squeeze %dma_wait3A_207 : memref<1x128x64xf32, #tpu.memory_space<vmem>> -> memref<128x64xf32, #tpu.memory_space<vmem>>
    %dma_wait3A_209 = arith.constant 0 : i32
    %dma_wait3A_210 = tpu.memref_slice %arg5[%dma_wait3A_202, %dma_wait3A_209] : memref<50x128xi32, #tpu.memory_space<vmem>> -> memref<1x128xi32, #tpu.memory_space<vmem>>
    %dma_wait3A_211 = tpu.memref_squeeze %dma_wait3A_210 : memref<1x128xi32, #tpu.memory_space<vmem>> -> memref<128xi32, #tpu.memory_space<vmem>>
    %dma_wait3A_212 = arith.constant 0 : i32
    %dma_wait3A_213 = arith.constant 0 : i32
    %dma_wait3A_214 = tpu.memref_slice %arg3[%dma_wait3A_212, %dma_wait3A_213] : memref<100000x64xf32, #tpu.memory_space<hbm>> -> memref<100000x64xf32, #tpu.memory_space<hbm>>
    %dma_wait3A_215 = tpu.memref_slice %arg7[%dma_wait3A_204] : memref<12x!tpu.dma_semaphore, #tpu.memory_space<semaphore_mem>> -> memref<1x!tpu.dma_semaphore, #tpu.memory_space<semaphore_mem>>
    %dma_wait3A_216 = tpu.memref_squeeze %dma_wait3A_215 : memref<1x!tpu.dma_semaphore, #tpu.memory_space<semaphore_mem>> -> memref<!tpu.dma_semaphore, #tpu.memory_space<semaphore_mem>>
    tpu.wait_indirect_dma semaphore(%dma_wait3A_216 : memref<!tpu.dma_semaphore, #tpu.memory_space<semaphore_mem>>) src(%dma_wait3A_214 : memref<100000x64xf32, #tpu.memory_space<hbm>>) dst(%dma_wait3A_208 : memref<128x64xf32, #tpu.memory_space<vmem>>)
    %add3A_217 = arith.constant 256 : i32
    %add3A_218 = arith.addi %mul3A_2, %add3A_217 : i32
    %dma_start3A_219 = arith.constant 2 : i32
    %dma_start3A_220 = arith.constant 2 : i32
    %dma_start3A_221 = arith.constant 0 : i32
    %dma_start3A_222 = arith.constant 0 : i32
    %dma_start3A_223 = tpu.memref_slice %arg6[%dma_start3A_219, %dma_start3A_221, %dma_start3A_222] : memref<12x128x64xf32, #tpu.memory_space<vmem>> -> memref<1x128x64xf32, #tpu.memory_space<vmem>>
    %dma_start3A_224 = tpu.memref_squeeze %dma_start3A_223 : memref<1x128x64xf32, #tpu.memory_space<vmem>> -> memref<128x64xf32, #tpu.memory_space<vmem>>
    %dma_start3A_225 = arith.constant 0 : i32
    %dma_start3A_226 = tpu.memref_slice %arg4[%add3A_218, %dma_start3A_225] : memref<204800x64xf32, #tpu.memory_space<hbm>> -> memref<128x64xf32, #tpu.memory_space<hbm>>
    %dma_start3A_227 = tpu.memref_slice %arg8[%dma_start3A_220] : memref<12x!tpu.dma_semaphore, #tpu.memory_space<semaphore_mem>> -> memref<1x!tpu.dma_semaphore, #tpu.memory_space<semaphore_mem>>
    %dma_start3A_228 = tpu.memref_squeeze %dma_start3A_227 : memref<1x!tpu.dma_semaphore, #tpu.memory_space<semaphore_mem>> -> memref<!tpu.dma_semaphore, #tpu.memory_space<semaphore_mem>>
    %dma_start3A_229 = arith.constant 0 : i32
    %dma_start3A_230 = tpu.memref_slice %arg4[%add3A_218, %dma_start3A_229] : memref<204800x64xf32, #tpu.memory_space<hbm>> -> memref<128x64xf32, #tpu.memory_space<hbm>>
    %dma_start3A_231 = arith.constant 0 : i32
    %dma_start3A_232 = arith.constant 0 : i32
    %dma_start3A_233 = tpu.memref_slice %arg6[%dma_start3A_219, %dma_start3A_231, %dma_start3A_232] : memref<12x128x64xf32, #tpu.memory_space<vmem>> -> memref<1x128x64xf32, #tpu.memory_space<vmem>>
    %dma_start3A_234 = tpu.memref_squeeze %dma_start3A_233 : memref<1x128x64xf32, #tpu.memory_space<vmem>> -> memref<128x64xf32, #tpu.memory_space<vmem>>
    tpu.enqueue_dma source(%dma_start3A_234 : memref<128x64xf32, #tpu.memory_space<vmem>>) target(%dma_start3A_230 : memref<128x64xf32, #tpu.memory_space<hbm>>) target_semaphore(%dma_start3A_228 : memref<!tpu.dma_semaphore, #tpu.memory_space<semaphore_mem>>)
    %dma_start3A_235 = arith.constant 9 : i32
    %dma_start3A_236 = arith.constant 9 : i32
    %dma_start3A_237 = arith.constant 9 : i32
    %dma_start3A_238 = arith.constant 0 : i32
    %dma_start3A_239 = arith.constant 0 : i32
    %dma_start3A_240 = tpu.memref_slice %arg6[%dma_start3A_236, %dma_start3A_238, %dma_start3A_239] : memref<12x128x64xf32, #tpu.memory_space<vmem>> -> memref<1x128x64xf32, #tpu.memory_space<vmem>>
    %dma_start3A_241 = tpu.memref_squeeze %dma_start3A_240 : memref<1x128x64xf32, #tpu.memory_space<vmem>> -> memref<128x64xf32, #tpu.memory_space<vmem>>
    %dma_start3A_242 = arith.constant 0 : i32
    %dma_start3A_243 = tpu.memref_slice %arg5[%dma_start3A_235, %dma_start3A_242] : memref<50x128xi32, #tpu.memory_space<vmem>> -> memref<1x128xi32, #tpu.memory_space<vmem>>
    %dma_start3A_244 = tpu.memref_squeeze %dma_start3A_243 : memref<1x128xi32, #tpu.memory_space<vmem>> -> memref<128xi32, #tpu.memory_space<vmem>>
    %dma_start3A_245 = arith.constant 0 : i32
    %dma_start3A_246 = arith.constant 0 : i32
    %dma_start3A_247 = tpu.memref_slice %arg3[%dma_start3A_245, %dma_start3A_246] : memref<100000x64xf32, #tpu.memory_space<hbm>> -> memref<100000x64xf32, #tpu.memory_space<hbm>>
    %dma_start3A_248 = tpu.memref_slice %arg7[%dma_start3A_237] : memref<12x!tpu.dma_semaphore, #tpu.memory_space<semaphore_mem>> -> memref<1x!tpu.dma_semaphore, #tpu.memory_space<semaphore_mem>>
    %dma_start3A_249 = tpu.memref_squeeze %dma_start3A_248 : memref<1x!tpu.dma_semaphore, #tpu.memory_space<semaphore_mem>> -> memref<!tpu.dma_semaphore, #tpu.memory_space<semaphore_mem>>
    tpu.enqueue_indirect_dma source(%dma_start3A_247 : memref<100000x64xf32, #tpu.memory_space<hbm>>) target(%dma_start3A_241 : memref<128x64xf32, #tpu.memory_space<vmem>>) offsets(%dma_start3A_244 : memref<128xi32, #tpu.memory_space<vmem>>) semaphore(%dma_start3A_249 : memref<!tpu.dma_semaphore, #tpu.memory_space<semaphore_mem>>)
    %dma_wait3A_250 = arith.constant 3 : i32
    %dma_wait3A_251 = arith.constant 3 : i32
    %dma_wait3A_252 = arith.constant 3 : i32
    %dma_wait3A_253 = arith.constant 0 : i32
    %dma_wait3A_254 = arith.constant 0 : i32
    %dma_wait3A_255 = tpu.memref_slice %arg6[%dma_wait3A_251, %dma_wait3A_253, %dma_wait3A_254] : memref<12x128x64xf32, #tpu.memory_space<vmem>> -> memref<1x128x64xf32, #tpu.memory_space<vmem>>
    %dma_wait3A_256 = tpu.memref_squeeze %dma_wait3A_255 : memref<1x128x64xf32, #tpu.memory_space<vmem>> -> memref<128x64xf32, #tpu.memory_space<vmem>>
    %dma_wait3A_257 = arith.constant 0 : i32
    %dma_wait3A_258 = tpu.memref_slice %arg5[%dma_wait3A_250, %dma_wait3A_257] : memref<50x128xi32, #tpu.memory_space<vmem>> -> memref<1x128xi32, #tpu.memory_space<vmem>>
    %dma_wait3A_259 = tpu.memref_squeeze %dma_wait3A_258 : memref<1x128xi32, #tpu.memory_space<vmem>> -> memref<128xi32, #tpu.memory_space<vmem>>
    %dma_wait3A_260 = arith.constant 0 : i32
    %dma_wait3A_261 = arith.constant 0 : i32
    %dma_wait3A_262 = tpu.memref_slice %arg3[%dma_wait3A_260, %dma_wait3A_261] : memref<100000x64xf32, #tpu.memory_space<hbm>> -> memref<100000x64xf32, #tpu.memory_space<hbm>>
    %dma_wait3A_263 = tpu.memref_slice %arg7[%dma_wait3A_252] : memref<12x!tpu.dma_semaphore, #tpu.memory_space<semaphore_mem>> -> memref<1x!tpu.dma_semaphore, #tpu.memory_space<semaphore_mem>>
    %dma_wait3A_264 = tpu.memref_squeeze %dma_wait3A_263 : memref<1x!tpu.dma_semaphore, #tpu.memory_space<semaphore_mem>> -> memref<!tpu.dma_semaphore, #tpu.memory_space<semaphore_mem>>
    tpu.wait_indirect_dma semaphore(%dma_wait3A_264 : memref<!tpu.dma_semaphore, #tpu.memory_space<semaphore_mem>>) src(%dma_wait3A_262 : memref<100000x64xf32, #tpu.memory_space<hbm>>) dst(%dma_wait3A_256 : memref<128x64xf32, #tpu.memory_space<vmem>>)
    %add3A_265 = arith.constant 384 : i32
    %add3A_266 = arith.addi %mul3A_2, %add3A_265 : i32
    %dma_start3A_267 = arith.constant 3 : i32
    %dma_start3A_268 = arith.constant 3 : i32
    %dma_start3A_269 = arith.constant 0 : i32
    %dma_start3A_270 = arith.constant 0 : i32
    %dma_start3A_271 = tpu.memref_slice %arg6[%dma_start3A_267, %dma_start3A_269, %dma_start3A_270] : memref<12x128x64xf32, #tpu.memory_space<vmem>> -> memref<1x128x64xf32, #tpu.memory_space<vmem>>
    %dma_start3A_272 = tpu.memref_squeeze %dma_start3A_271 : memref<1x128x64xf32, #tpu.memory_space<vmem>> -> memref<128x64xf32, #tpu.memory_space<vmem>>
    %dma_start3A_273 = arith.constant 0 : i32
    %dma_start3A_274 = tpu.memref_slice %arg4[%add3A_266, %dma_start3A_273] : memref<204800x64xf32, #tpu.memory_space<hbm>> -> memref<128x64xf32, #tpu.memory_space<hbm>>
    %dma_start3A_275 = tpu.memref_slice %arg8[%dma_start3A_268] : memref<12x!tpu.dma_semaphore, #tpu.memory_space<semaphore_mem>> -> memref<1x!tpu.dma_semaphore, #tpu.memory_space<semaphore_mem>>
    %dma_start3A_276 = tpu.memref_squeeze %dma_start3A_275 : memref<1x!tpu.dma_semaphore, #tpu.memory_space<semaphore_mem>> -> memref<!tpu.dma_semaphore, #tpu.memory_space<semaphore_mem>>
    %dma_start3A_277 = arith.constant 0 : i32
    %dma_start3A_278 = tpu.memref_slice %arg4[%add3A_266, %dma_start3A_277] : memref<204800x64xf32, #tpu.memory_space<hbm>> -> memref<128x64xf32, #tpu.memory_space<hbm>>
    %dma_start3A_279 = arith.constant 0 : i32
    %dma_start3A_280 = arith.constant 0 : i32
    %dma_start3A_281 = tpu.memref_slice %arg6[%dma_start3A_267, %dma_start3A_279, %dma_start3A_280] : memref<12x128x64xf32, #tpu.memory_space<vmem>> -> memref<1x128x64xf32, #tpu.memory_space<vmem>>
    %dma_start3A_282 = tpu.memref_squeeze %dma_start3A_281 : memref<1x128x64xf32, #tpu.memory_space<vmem>> -> memref<128x64xf32, #tpu.memory_space<vmem>>
    tpu.enqueue_dma source(%dma_start3A_282 : memref<128x64xf32, #tpu.memory_space<vmem>>) target(%dma_start3A_278 : memref<128x64xf32, #tpu.memory_space<hbm>>) target_semaphore(%dma_start3A_276 : memref<!tpu.dma_semaphore, #tpu.memory_space<semaphore_mem>>)
    %dma_start3A_283 = arith.constant 10 : i32
    %dma_start3A_284 = arith.constant 10 : i32
    %dma_start3A_285 = arith.constant 10 : i32
    %dma_start3A_286 = arith.constant 0 : i32
    %dma_start3A_287 = arith.constant 0 : i32
    %dma_start3A_288 = tpu.memref_slice %arg6[%dma_start3A_284, %dma_start3A_286, %dma_start3A_287] : memref<12x128x64xf32, #tpu.memory_space<vmem>> -> memref<1x128x64xf32, #tpu.memory_space<vmem>>
    %dma_start3A_289 = tpu.memref_squeeze %dma_start3A_288 : memref<1x128x64xf32, #tpu.memory_space<vmem>> -> memref<128x64xf32, #tpu.memory_space<vmem>>
    %dma_start3A_290 = arith.constant 0 : i32
    %dma_start3A_291 = tpu.memref_slice %arg5[%dma_start3A_283, %dma_start3A_290] : memref<50x128xi32, #tpu.memory_space<vmem>> -> memref<1x128xi32, #tpu.memory_space<vmem>>
    %dma_start3A_292 = tpu.memref_squeeze %dma_start3A_291 : memref<1x128xi32, #tpu.memory_space<vmem>> -> memref<128xi32, #tpu.memory_space<vmem>>
    %dma_start3A_293 = arith.constant 0 : i32
    %dma_start3A_294 = arith.constant 0 : i32
    %dma_start3A_295 = tpu.memref_slice %arg3[%dma_start3A_293, %dma_start3A_294] : memref<100000x64xf32, #tpu.memory_space<hbm>> -> memref<100000x64xf32, #tpu.memory_space<hbm>>
    %dma_start3A_296 = tpu.memref_slice %arg7[%dma_start3A_285] : memref<12x!tpu.dma_semaphore, #tpu.memory_space<semaphore_mem>> -> memref<1x!tpu.dma_semaphore, #tpu.memory_space<semaphore_mem>>
    %dma_start3A_297 = tpu.memref_squeeze %dma_start3A_296 : memref<1x!tpu.dma_semaphore, #tpu.memory_space<semaphore_mem>> -> memref<!tpu.dma_semaphore, #tpu.memory_space<semaphore_mem>>
    tpu.enqueue_indirect_dma source(%dma_start3A_295 : memref<100000x64xf32, #tpu.memory_space<hbm>>) target(%dma_start3A_289 : memref<128x64xf32, #tpu.memory_space<vmem>>) offsets(%dma_start3A_292 : memref<128xi32, #tpu.memory_space<vmem>>) semaphore(%dma_start3A_297 : memref<!tpu.dma_semaphore, #tpu.memory_space<semaphore_mem>>)
    %dma_wait3A_298 = arith.constant 4 : i32
    %dma_wait3A_299 = arith.constant 4 : i32
    %dma_wait3A_300 = arith.constant 4 : i32
    %dma_wait3A_301 = arith.constant 0 : i32
    %dma_wait3A_302 = arith.constant 0 : i32
    %dma_wait3A_303 = tpu.memref_slice %arg6[%dma_wait3A_299, %dma_wait3A_301, %dma_wait3A_302] : memref<12x128x64xf32, #tpu.memory_space<vmem>> -> memref<1x128x64xf32, #tpu.memory_space<vmem>>
    %dma_wait3A_304 = tpu.memref_squeeze %dma_wait3A_303 : memref<1x128x64xf32, #tpu.memory_space<vmem>> -> memref<128x64xf32, #tpu.memory_space<vmem>>
    %dma_wait3A_305 = arith.constant 0 : i32
    %dma_wait3A_306 = tpu.memref_slice %arg5[%dma_wait3A_298, %dma_wait3A_305] : memref<50x128xi32, #tpu.memory_space<vmem>> -> memref<1x128xi32, #tpu.memory_space<vmem>>
    %dma_wait3A_307 = tpu.memref_squeeze %dma_wait3A_306 : memref<1x128xi32, #tpu.memory_space<vmem>> -> memref<128xi32, #tpu.memory_space<vmem>>
    %dma_wait3A_308 = arith.constant 0 : i32
    %dma_wait3A_309 = arith.constant 0 : i32
    %dma_wait3A_310 = tpu.memref_slice %arg3[%dma_wait3A_308, %dma_wait3A_309] : memref<100000x64xf32, #tpu.memory_space<hbm>> -> memref<100000x64xf32, #tpu.memory_space<hbm>>
    %dma_wait3A_311 = tpu.memref_slice %arg7[%dma_wait3A_300] : memref<12x!tpu.dma_semaphore, #tpu.memory_space<semaphore_mem>> -> memref<1x!tpu.dma_semaphore, #tpu.memory_space<semaphore_mem>>
    %dma_wait3A_312 = tpu.memref_squeeze %dma_wait3A_311 : memref<1x!tpu.dma_semaphore, #tpu.memory_space<semaphore_mem>> -> memref<!tpu.dma_semaphore, #tpu.memory_space<semaphore_mem>>
    tpu.wait_indirect_dma semaphore(%dma_wait3A_312 : memref<!tpu.dma_semaphore, #tpu.memory_space<semaphore_mem>>) src(%dma_wait3A_310 : memref<100000x64xf32, #tpu.memory_space<hbm>>) dst(%dma_wait3A_304 : memref<128x64xf32, #tpu.memory_space<vmem>>)
    %add3A_313 = arith.constant 512 : i32
    %add3A_314 = arith.addi %mul3A_2, %add3A_313 : i32
    %dma_start3A_315 = arith.constant 4 : i32
    %dma_start3A_316 = arith.constant 4 : i32
    %dma_start3A_317 = arith.constant 0 : i32
    %dma_start3A_318 = arith.constant 0 : i32
    %dma_start3A_319 = tpu.memref_slice %arg6[%dma_start3A_315, %dma_start3A_317, %dma_start3A_318] : memref<12x128x64xf32, #tpu.memory_space<vmem>> -> memref<1x128x64xf32, #tpu.memory_space<vmem>>
    %dma_start3A_320 = tpu.memref_squeeze %dma_start3A_319 : memref<1x128x64xf32, #tpu.memory_space<vmem>> -> memref<128x64xf32, #tpu.memory_space<vmem>>
    %dma_start3A_321 = arith.constant 0 : i32
    %dma_start3A_322 = tpu.memref_slice %arg4[%add3A_314, %dma_start3A_321] : memref<204800x64xf32, #tpu.memory_space<hbm>> -> memref<128x64xf32, #tpu.memory_space<hbm>>
    %dma_start3A_323 = tpu.memref_slice %arg8[%dma_start3A_316] : memref<12x!tpu.dma_semaphore, #tpu.memory_space<semaphore_mem>> -> memref<1x!tpu.dma_semaphore, #tpu.memory_space<semaphore_mem>>
    %dma_start3A_324 = tpu.memref_squeeze %dma_start3A_323 : memref<1x!tpu.dma_semaphore, #tpu.memory_space<semaphore_mem>> -> memref<!tpu.dma_semaphore, #tpu.memory_space<semaphore_mem>>
    %dma_start3A_325 = arith.constant 0 : i32
    %dma_start3A_326 = tpu.memref_slice %arg4[%add3A_314, %dma_start3A_325] : memref<204800x64xf32, #tpu.memory_space<hbm>> -> memref<128x64xf32, #tpu.memory_space<hbm>>
    %dma_start3A_327 = arith.constant 0 : i32
    %dma_start3A_328 = arith.constant 0 : i32
    %dma_start3A_329 = tpu.memref_slice %arg6[%dma_start3A_315, %dma_start3A_327, %dma_start3A_328] : memref<12x128x64xf32, #tpu.memory_space<vmem>> -> memref<1x128x64xf32, #tpu.memory_space<vmem>>
    %dma_start3A_330 = tpu.memref_squeeze %dma_start3A_329 : memref<1x128x64xf32, #tpu.memory_space<vmem>> -> memref<128x64xf32, #tpu.memory_space<vmem>>
    tpu.enqueue_dma source(%dma_start3A_330 : memref<128x64xf32, #tpu.memory_space<vmem>>) target(%dma_start3A_326 : memref<128x64xf32, #tpu.memory_space<hbm>>) target_semaphore(%dma_start3A_324 : memref<!tpu.dma_semaphore, #tpu.memory_space<semaphore_mem>>)
    %dma_start3A_331 = arith.constant 11 : i32
    %dma_start3A_332 = arith.constant 11 : i32
    %dma_start3A_333 = arith.constant 11 : i32
    %dma_start3A_334 = arith.constant 0 : i32
    %dma_start3A_335 = arith.constant 0 : i32
    %dma_start3A_336 = tpu.memref_slice %arg6[%dma_start3A_332, %dma_start3A_334, %dma_start3A_335] : memref<12x128x64xf32, #tpu.memory_space<vmem>> -> memref<1x128x64xf32, #tpu.memory_space<vmem>>
    %dma_start3A_337 = tpu.memref_squeeze %dma_start3A_336 : memref<1x128x64xf32, #tpu.memory_space<vmem>> -> memref<128x64xf32, #tpu.memory_space<vmem>>
    %dma_start3A_338 = arith.constant 0 : i32
    %dma_start3A_339 = tpu.memref_slice %arg5[%dma_start3A_331, %dma_start3A_338] : memref<50x128xi32, #tpu.memory_space<vmem>> -> memref<1x128xi32, #tpu.memory_space<vmem>>
    %dma_start3A_340 = tpu.memref_squeeze %dma_start3A_339 : memref<1x128xi32, #tpu.memory_space<vmem>> -> memref<128xi32, #tpu.memory_space<vmem>>
    %dma_start3A_341 = arith.constant 0 : i32
    %dma_start3A_342 = arith.constant 0 : i32
    %dma_start3A_343 = tpu.memref_slice %arg3[%dma_start3A_341, %dma_start3A_342] : memref<100000x64xf32, #tpu.memory_space<hbm>> -> memref<100000x64xf32, #tpu.memory_space<hbm>>
    %dma_start3A_344 = tpu.memref_slice %arg7[%dma_start3A_333] : memref<12x!tpu.dma_semaphore, #tpu.memory_space<semaphore_mem>> -> memref<1x!tpu.dma_semaphore, #tpu.memory_space<semaphore_mem>>
    %dma_start3A_345 = tpu.memref_squeeze %dma_start3A_344 : memref<1x!tpu.dma_semaphore, #tpu.memory_space<semaphore_mem>> -> memref<!tpu.dma_semaphore, #tpu.memory_space<semaphore_mem>>
    tpu.enqueue_indirect_dma source(%dma_start3A_343 : memref<100000x64xf32, #tpu.memory_space<hbm>>) target(%dma_start3A_337 : memref<128x64xf32, #tpu.memory_space<vmem>>) offsets(%dma_start3A_340 : memref<128xi32, #tpu.memory_space<vmem>>) semaphore(%dma_start3A_345 : memref<!tpu.dma_semaphore, #tpu.memory_space<semaphore_mem>>)
    %dma_wait3A_346 = arith.constant 5 : i32
    %dma_wait3A_347 = arith.constant 5 : i32
    %dma_wait3A_348 = arith.constant 5 : i32
    %dma_wait3A_349 = arith.constant 0 : i32
    %dma_wait3A_350 = arith.constant 0 : i32
    %dma_wait3A_351 = tpu.memref_slice %arg6[%dma_wait3A_347, %dma_wait3A_349, %dma_wait3A_350] : memref<12x128x64xf32, #tpu.memory_space<vmem>> -> memref<1x128x64xf32, #tpu.memory_space<vmem>>
    %dma_wait3A_352 = tpu.memref_squeeze %dma_wait3A_351 : memref<1x128x64xf32, #tpu.memory_space<vmem>> -> memref<128x64xf32, #tpu.memory_space<vmem>>
    %dma_wait3A_353 = arith.constant 0 : i32
    %dma_wait3A_354 = tpu.memref_slice %arg5[%dma_wait3A_346, %dma_wait3A_353] : memref<50x128xi32, #tpu.memory_space<vmem>> -> memref<1x128xi32, #tpu.memory_space<vmem>>
    %dma_wait3A_355 = tpu.memref_squeeze %dma_wait3A_354 : memref<1x128xi32, #tpu.memory_space<vmem>> -> memref<128xi32, #tpu.memory_space<vmem>>
    %dma_wait3A_356 = arith.constant 0 : i32
    %dma_wait3A_357 = arith.constant 0 : i32
    %dma_wait3A_358 = tpu.memref_slice %arg3[%dma_wait3A_356, %dma_wait3A_357] : memref<100000x64xf32, #tpu.memory_space<hbm>> -> memref<100000x64xf32, #tpu.memory_space<hbm>>
    %dma_wait3A_359 = tpu.memref_slice %arg7[%dma_wait3A_348] : memref<12x!tpu.dma_semaphore, #tpu.memory_space<semaphore_mem>> -> memref<1x!tpu.dma_semaphore, #tpu.memory_space<semaphore_mem>>
    %dma_wait3A_360 = tpu.memref_squeeze %dma_wait3A_359 : memref<1x!tpu.dma_semaphore, #tpu.memory_space<semaphore_mem>> -> memref<!tpu.dma_semaphore, #tpu.memory_space<semaphore_mem>>
    tpu.wait_indirect_dma semaphore(%dma_wait3A_360 : memref<!tpu.dma_semaphore, #tpu.memory_space<semaphore_mem>>) src(%dma_wait3A_358 : memref<100000x64xf32, #tpu.memory_space<hbm>>) dst(%dma_wait3A_352 : memref<128x64xf32, #tpu.memory_space<vmem>>)
    %add3A_361 = arith.constant 640 : i32
    %add3A_362 = arith.addi %mul3A_2, %add3A_361 : i32
    %dma_start3A_363 = arith.constant 5 : i32
    %dma_start3A_364 = arith.constant 5 : i32
    %dma_start3A_365 = arith.constant 0 : i32
    %dma_start3A_366 = arith.constant 0 : i32
    %dma_start3A_367 = tpu.memref_slice %arg6[%dma_start3A_363, %dma_start3A_365, %dma_start3A_366] : memref<12x128x64xf32, #tpu.memory_space<vmem>> -> memref<1x128x64xf32, #tpu.memory_space<vmem>>
    %dma_start3A_368 = tpu.memref_squeeze %dma_start3A_367 : memref<1x128x64xf32, #tpu.memory_space<vmem>> -> memref<128x64xf32, #tpu.memory_space<vmem>>
    %dma_start3A_369 = arith.constant 0 : i32
    %dma_start3A_370 = tpu.memref_slice %arg4[%add3A_362, %dma_start3A_369] : memref<204800x64xf32, #tpu.memory_space<hbm>> -> memref<128x64xf32, #tpu.memory_space<hbm>>
    %dma_start3A_371 = tpu.memref_slice %arg8[%dma_start3A_364] : memref<12x!tpu.dma_semaphore, #tpu.memory_space<semaphore_mem>> -> memref<1x!tpu.dma_semaphore, #tpu.memory_space<semaphore_mem>>
    %dma_start3A_372 = tpu.memref_squeeze %dma_start3A_371 : memref<1x!tpu.dma_semaphore, #tpu.memory_space<semaphore_mem>> -> memref<!tpu.dma_semaphore, #tpu.memory_space<semaphore_mem>>
    %dma_start3A_373 = arith.constant 0 : i32
    %dma_start3A_374 = tpu.memref_slice %arg4[%add3A_362, %dma_start3A_373] : memref<204800x64xf32, #tpu.memory_space<hbm>> -> memref<128x64xf32, #tpu.memory_space<hbm>>
    %dma_start3A_375 = arith.constant 0 : i32
    %dma_start3A_376 = arith.constant 0 : i32
    %dma_start3A_377 = tpu.memref_slice %arg6[%dma_start3A_363, %dma_start3A_375, %dma_start3A_376] : memref<12x128x64xf32, #tpu.memory_space<vmem>> -> memref<1x128x64xf32, #tpu.memory_space<vmem>>
    %dma_start3A_378 = tpu.memref_squeeze %dma_start3A_377 : memref<1x128x64xf32, #tpu.memory_space<vmem>> -> memref<128x64xf32, #tpu.memory_space<vmem>>
    tpu.enqueue_dma source(%dma_start3A_378 : memref<128x64xf32, #tpu.memory_space<vmem>>) target(%dma_start3A_374 : memref<128x64xf32, #tpu.memory_space<hbm>>) target_semaphore(%dma_start3A_372 : memref<!tpu.dma_semaphore, #tpu.memory_space<semaphore_mem>>)
    %scan3A = arith.constant 0 : i32
    %scan3A_379 = arith.constant 12 : i32
    %scan3A_380 = arith.constant 38 : i32
    %scan3A_381 = arith.addi %scan3A_379, %scan3A_380 : i32
    %scan3A_382 = arith.constant 1 : i32
    scf.for %scan3A_798 = %scan3A_379 to %scan3A_381 step %scan3A_382  : i32 {
      %rem3A = arith.constant 12 : i32
      %rem3A_799 = arith.remsi %scan3A_798, %rem3A : i32
      %sub3A = arith.constant 12 : i32
      %sub3A_800 = arith.subi %scan3A_798, %sub3A : i32
      %mul3A_801 = arith.constant 128 : i32
      %mul3A_802 = arith.muli %sub3A_800, %mul3A_801 : i32
      %add3A_803 = arith.addi %mul3A_2, %mul3A_802 : i32
      %dma_wait3A_804 = arith.constant 0 : i32
      %dma_wait3A_805 = arith.constant 0 : i32
      %dma_wait3A_806 = tpu.memref_slice %arg6[%rem3A_799, %dma_wait3A_804, %dma_wait3A_805] : memref<12x128x64xf32, #tpu.memory_space<vmem>> -> memref<1x128x64xf32, #tpu.memory_space<vmem>>
      %dma_wait3A_807 = tpu.memref_squeeze %dma_wait3A_806 : memref<1x128x64xf32, #tpu.memory_space<vmem>> -> memref<128x64xf32, #tpu.memory_space<vmem>>
      %dma_wait3A_808 = arith.constant 0 : i32
      %dma_wait3A_809 = tpu.memref_slice %arg4[%add3A_803, %dma_wait3A_808] : memref<204800x64xf32, #tpu.memory_space<hbm>> -> memref<128x64xf32, #tpu.memory_space<hbm>>
      %dma_wait3A_810 = tpu.memref_slice %arg8[%rem3A_799] : memref<12x!tpu.dma_semaphore, #tpu.memory_space<semaphore_mem>> -> memref<1x!tpu.dma_semaphore, #tpu.memory_space<semaphore_mem>>
      %dma_wait3A_811 = tpu.memref_squeeze %dma_wait3A_810 : memref<1x!tpu.dma_semaphore, #tpu.memory_space<semaphore_mem>> -> memref<!tpu.dma_semaphore, #tpu.memory_space<semaphore_mem>>
      %dma_wait3A_812 = arith.constant 0 : i32
      %dma_wait3A_813 = tpu.memref_slice %arg4[%add3A_803, %dma_wait3A_812] : memref<204800x64xf32, #tpu.memory_space<hbm>> -> memref<128x64xf32, #tpu.memory_space<hbm>>
      %dma_wait3A_814 = arith.constant 0 : i32
      %dma_wait3A_815 = arith.constant 0 : i32
      %dma_wait3A_816 = tpu.memref_slice %arg6[%rem3A_799, %dma_wait3A_814, %dma_wait3A_815] : memref<12x128x64xf32, #tpu.memory_space<vmem>> -> memref<1x128x64xf32, #tpu.memory_space<vmem>>
      %dma_wait3A_817 = tpu.memref_squeeze %dma_wait3A_816 : memref<1x128x64xf32, #tpu.memory_space<vmem>> -> memref<128x64xf32, #tpu.memory_space<vmem>>
      tpu.wait_dma2 semaphore(%dma_wait3A_811 : memref<!tpu.dma_semaphore, #tpu.memory_space<semaphore_mem>>) src(%dma_wait3A_817 : memref<128x64xf32, #tpu.memory_space<vmem>>) dst(%dma_wait3A_813 : memref<128x64xf32, #tpu.memory_space<hbm>>)
      %dma_start3A_818 = arith.constant 0 : i32
      %dma_start3A_819 = arith.constant 0 : i32
      %dma_start3A_820 = tpu.memref_slice %arg6[%rem3A_799, %dma_start3A_818, %dma_start3A_819] : memref<12x128x64xf32, #tpu.memory_space<vmem>> -> memref<1x128x64xf32, #tpu.memory_space<vmem>>
      %dma_start3A_821 = tpu.memref_squeeze %dma_start3A_820 : memref<1x128x64xf32, #tpu.memory_space<vmem>> -> memref<128x64xf32, #tpu.memory_space<vmem>>
      %dma_start3A_822 = arith.constant 0 : i32
      %dma_start3A_823 = tpu.memref_slice %arg5[%scan3A_798, %dma_start3A_822] : memref<50x128xi32, #tpu.memory_space<vmem>> -> memref<1x128xi32, #tpu.memory_space<vmem>>
      %dma_start3A_824 = tpu.memref_squeeze %dma_start3A_823 : memref<1x128xi32, #tpu.memory_space<vmem>> -> memref<128xi32, #tpu.memory_space<vmem>>
      %dma_start3A_825 = arith.constant 0 : i32
      %dma_start3A_826 = arith.constant 0 : i32
      %dma_start3A_827 = tpu.memref_slice %arg3[%dma_start3A_825, %dma_start3A_826] : memref<100000x64xf32, #tpu.memory_space<hbm>> -> memref<100000x64xf32, #tpu.memory_space<hbm>>
      %dma_start3A_828 = tpu.memref_slice %arg7[%rem3A_799] : memref<12x!tpu.dma_semaphore, #tpu.memory_space<semaphore_mem>> -> memref<1x!tpu.dma_semaphore, #tpu.memory_space<semaphore_mem>>
      %dma_start3A_829 = tpu.memref_squeeze %dma_start3A_828 : memref<1x!tpu.dma_semaphore, #tpu.memory_space<semaphore_mem>> -> memref<!tpu.dma_semaphore, #tpu.memory_space<semaphore_mem>>
      tpu.enqueue_indirect_dma source(%dma_start3A_827 : memref<100000x64xf32, #tpu.memory_space<hbm>>) target(%dma_start3A_821 : memref<128x64xf32, #tpu.memory_space<vmem>>) offsets(%dma_start3A_824 : memref<128xi32, #tpu.memory_space<vmem>>) semaphore(%dma_start3A_829 : memref<!tpu.dma_semaphore, #tpu.memory_space<semaphore_mem>>)
      %sub3A_830 = arith.constant 6 : i32
      %sub3A_831 = arith.subi %scan3A_798, %sub3A_830 : i32
      %rem3A_832 = arith.constant 12 : i32
      %rem3A_833 = arith.remsi %sub3A_831, %rem3A_832 : i32
      %dma_wait3A_834 = arith.constant 0 : i32
      %dma_wait3A_835 = arith.constant 0 : i32
      %dma_wait3A_836 = tpu.memref_slice %arg6[%rem3A_833, %dma_wait3A_834, %dma_wait3A_835] : memref<12x128x64xf32, #tpu.memory_space<vmem>> -> memref<1x128x64xf32, #tpu.memory_space<vmem>>
      %dma_wait3A_837 = tpu.memref_squeeze %dma_wait3A_836 : memref<1x128x64xf32, #tpu.memory_space<vmem>> -> memref<128x64xf32, #tpu.memory_space<vmem>>
      %dma_wait3A_838 = arith.constant 0 : i32
      %dma_wait3A_839 = tpu.memref_slice %arg5[%sub3A_831, %dma_wait3A_838] : memref<50x128xi32, #tpu.memory_space<vmem>> -> memref<1x128xi32, #tpu.memory_space<vmem>>
      %dma_wait3A_840 = tpu.memref_squeeze %dma_wait3A_839 : memref<1x128xi32, #tpu.memory_space<vmem>> -> memref<128xi32, #tpu.memory_space<vmem>>
      %dma_wait3A_841 = arith.constant 0 : i32
      %dma_wait3A_842 = arith.constant 0 : i32
      %dma_wait3A_843 = tpu.memref_slice %arg3[%dma_wait3A_841, %dma_wait3A_842] : memref<100000x64xf32, #tpu.memory_space<hbm>> -> memref<100000x64xf32, #tpu.memory_space<hbm>>
      %dma_wait3A_844 = tpu.memref_slice %arg7[%rem3A_833] : memref<12x!tpu.dma_semaphore, #tpu.memory_space<semaphore_mem>> -> memref<1x!tpu.dma_semaphore, #tpu.memory_space<semaphore_mem>>
      %dma_wait3A_845 = tpu.memref_squeeze %dma_wait3A_844 : memref<1x!tpu.dma_semaphore, #tpu.memory_space<semaphore_mem>> -> memref<!tpu.dma_semaphore, #tpu.memory_space<semaphore_mem>>
      tpu.wait_indirect_dma semaphore(%dma_wait3A_845 : memref<!tpu.dma_semaphore, #tpu.memory_space<semaphore_mem>>) src(%dma_wait3A_843 : memref<100000x64xf32, #tpu.memory_space<hbm>>) dst(%dma_wait3A_837 : memref<128x64xf32, #tpu.memory_space<vmem>>)
      %mul3A_846 = arith.constant 128 : i32
      %mul3A_847 = arith.muli %sub3A_831, %mul3A_846 : i32
      %add3A_848 = arith.addi %mul3A_2, %mul3A_847 : i32
      %dma_start3A_849 = arith.constant 0 : i32
      %dma_start3A_850 = arith.constant 0 : i32
      %dma_start3A_851 = tpu.memref_slice %arg6[%rem3A_833, %dma_start3A_849, %dma_start3A_850] : memref<12x128x64xf32, #tpu.memory_space<vmem>> -> memref<1x128x64xf32, #tpu.memory_space<vmem>>
      %dma_start3A_852 = tpu.memref_squeeze %dma_start3A_851 : memref<1x128x64xf32, #tpu.memory_space<vmem>> -> memref<128x64xf32, #tpu.memory_space<vmem>>
      %dma_start3A_853 = arith.constant 0 : i32
      %dma_start3A_854 = tpu.memref_slice %arg4[%add3A_848, %dma_start3A_853] : memref<204800x64xf32, #tpu.memory_space<hbm>> -> memref<128x64xf32, #tpu.memory_space<hbm>>
      %dma_start3A_855 = tpu.memref_slice %arg8[%rem3A_833] : memref<12x!tpu.dma_semaphore, #tpu.memory_space<semaphore_mem>> -> memref<1x!tpu.dma_semaphore, #tpu.memory_space<semaphore_mem>>
      %dma_start3A_856 = tpu.memref_squeeze %dma_start3A_855 : memref<1x!tpu.dma_semaphore, #tpu.memory_space<semaphore_mem>> -> memref<!tpu.dma_semaphore, #tpu.memory_space<semaphore_mem>>
      %dma_start3A_857 = arith.constant 0 : i32
      %dma_start3A_858 = tpu.memref_slice %arg4[%add3A_848, %dma_start3A_857] : memref<204800x64xf32, #tpu.memory_space<hbm>> -> memref<128x64xf32, #tpu.memory_space<hbm>>
      %dma_start3A_859 = arith.constant 0 : i32
      %dma_start3A_860 = arith.constant 0 : i32
      %dma_start3A_861 = tpu.memref_slice %arg6[%rem3A_833, %dma_start3A_859, %dma_start3A_860] : memref<12x128x64xf32, #tpu.memory_space<vmem>> -> memref<1x128x64xf32, #tpu.memory_space<vmem>>
      %dma_start3A_862 = tpu.memref_squeeze %dma_start3A_861 : memref<1x128x64xf32, #tpu.memory_space<vmem>> -> memref<128x64xf32, #tpu.memory_space<vmem>>
      tpu.enqueue_dma source(%dma_start3A_862 : memref<128x64xf32, #tpu.memory_space<vmem>>) target(%dma_start3A_858 : memref<128x64xf32, #tpu.memory_space<hbm>>) target_semaphore(%dma_start3A_856 : memref<!tpu.dma_semaphore, #tpu.memory_space<semaphore_mem>>)
    }
    %scan3A_383 = arith.constant 38 : i32
    %dma_wait3A_384 = arith.constant 44 : i32
    %dma_wait3A_385 = arith.constant 8 : i32
    %dma_wait3A_386 = arith.constant 8 : i32
    %dma_wait3A_387 = arith.constant 0 : i32
    %dma_wait3A_388 = arith.constant 0 : i32
    %dma_wait3A_389 = tpu.memref_slice %arg6[%dma_wait3A_385, %dma_wait3A_387, %dma_wait3A_388] : memref<12x128x64xf32, #tpu.memory_space<vmem>> -> memref<1x128x64xf32, #tpu.memory_space<vmem>>
    %dma_wait3A_390 = tpu.memref_squeeze %dma_wait3A_389 : memref<1x128x64xf32, #tpu.memory_space<vmem>> -> memref<128x64xf32, #tpu.memory_space<vmem>>
    %dma_wait3A_391 = arith.constant 0 : i32
    %dma_wait3A_392 = tpu.memref_slice %arg5[%dma_wait3A_384, %dma_wait3A_391] : memref<50x128xi32, #tpu.memory_space<vmem>> -> memref<1x128xi32, #tpu.memory_space<vmem>>
    %dma_wait3A_393 = tpu.memref_squeeze %dma_wait3A_392 : memref<1x128xi32, #tpu.memory_space<vmem>> -> memref<128xi32, #tpu.memory_space<vmem>>
    %dma_wait3A_394 = arith.constant 0 : i32
    %dma_wait3A_395 = arith.constant 0 : i32
    %dma_wait3A_396 = tpu.memref_slice %arg3[%dma_wait3A_394, %dma_wait3A_395] : memref<100000x64xf32, #tpu.memory_space<hbm>> -> memref<100000x64xf32, #tpu.memory_space<hbm>>
    %dma_wait3A_397 = tpu.memref_slice %arg7[%dma_wait3A_386] : memref<12x!tpu.dma_semaphore, #tpu.memory_space<semaphore_mem>> -> memref<1x!tpu.dma_semaphore, #tpu.memory_space<semaphore_mem>>
    %dma_wait3A_398 = tpu.memref_squeeze %dma_wait3A_397 : memref<1x!tpu.dma_semaphore, #tpu.memory_space<semaphore_mem>> -> memref<!tpu.dma_semaphore, #tpu.memory_space<semaphore_mem>>
    tpu.wait_indirect_dma semaphore(%dma_wait3A_398 : memref<!tpu.dma_semaphore, #tpu.memory_space<semaphore_mem>>) src(%dma_wait3A_396 : memref<100000x64xf32, #tpu.memory_space<hbm>>) dst(%dma_wait3A_390 : memref<128x64xf32, #tpu.memory_space<vmem>>)
    %add3A_399 = arith.constant 5632 : i32
    %add3A_400 = arith.addi %mul3A_2, %add3A_399 : i32
    %dma_start3A_401 = arith.constant 8 : i32
    %dma_start3A_402 = arith.constant 8 : i32
    %dma_start3A_403 = arith.constant 0 : i32
    %dma_start3A_404 = arith.constant 0 : i32
    %dma_start3A_405 = tpu.memref_slice %arg6[%dma_start3A_401, %dma_start3A_403, %dma_start3A_404] : memref<12x128x64xf32, #tpu.memory_space<vmem>> -> memref<1x128x64xf32, #tpu.memory_space<vmem>>
    %dma_start3A_406 = tpu.memref_squeeze %dma_start3A_405 : memref<1x128x64xf32, #tpu.memory_space<vmem>> -> memref<128x64xf32, #tpu.memory_space<vmem>>
    %dma_start3A_407 = arith.constant 0 : i32
    %dma_start3A_408 = tpu.memref_slice %arg4[%add3A_400, %dma_start3A_407] : memref<204800x64xf32, #tpu.memory_space<hbm>> -> memref<128x64xf32, #tpu.memory_space<hbm>>
    %dma_start3A_409 = tpu.memref_slice %arg8[%dma_start3A_402] : memref<12x!tpu.dma_semaphore, #tpu.memory_space<semaphore_mem>> -> memref<1x!tpu.dma_semaphore, #tpu.memory_space<semaphore_mem>>
    %dma_start3A_410 = tpu.memref_squeeze %dma_start3A_409 : memref<1x!tpu.dma_semaphore, #tpu.memory_space<semaphore_mem>> -> memref<!tpu.dma_semaphore, #tpu.memory_space<semaphore_mem>>
    %dma_start3A_411 = arith.constant 0 : i32
    %dma_start3A_412 = tpu.memref_slice %arg4[%add3A_400, %dma_start3A_411] : memref<204800x64xf32, #tpu.memory_space<hbm>> -> memref<128x64xf32, #tpu.memory_space<hbm>>
    %dma_start3A_413 = arith.constant 0 : i32
    %dma_start3A_414 = arith.constant 0 : i32
    %dma_start3A_415 = tpu.memref_slice %arg6[%dma_start3A_401, %dma_start3A_413, %dma_start3A_414] : memref<12x128x64xf32, #tpu.memory_space<vmem>> -> memref<1x128x64xf32, #tpu.memory_space<vmem>>
    %dma_start3A_416 = tpu.memref_squeeze %dma_start3A_415 : memref<1x128x64xf32, #tpu.memory_space<vmem>> -> memref<128x64xf32, #tpu.memory_space<vmem>>
    tpu.enqueue_dma source(%dma_start3A_416 : memref<128x64xf32, #tpu.memory_space<vmem>>) target(%dma_start3A_412 : memref<128x64xf32, #tpu.memory_space<hbm>>) target_semaphore(%dma_start3A_410 : memref<!tpu.dma_semaphore, #tpu.memory_space<semaphore_mem>>)
    %dma_wait3A_417 = arith.constant 45 : i32
    %dma_wait3A_418 = arith.constant 9 : i32
    %dma_wait3A_419 = arith.constant 9 : i32
    %dma_wait3A_420 = arith.constant 0 : i32
    %dma_wait3A_421 = arith.constant 0 : i32
    %dma_wait3A_422 = tpu.memref_slice %arg6[%dma_wait3A_418, %dma_wait3A_420, %dma_wait3A_421] : memref<12x128x64xf32, #tpu.memory_space<vmem>> -> memref<1x128x64xf32, #tpu.memory_space<vmem>>
    %dma_wait3A_423 = tpu.memref_squeeze %dma_wait3A_422 : memref<1x128x64xf32, #tpu.memory_space<vmem>> -> memref<128x64xf32, #tpu.memory_space<vmem>>
    %dma_wait3A_424 = arith.constant 0 : i32
    %dma_wait3A_425 = tpu.memref_slice %arg5[%dma_wait3A_417, %dma_wait3A_424] : memref<50x128xi32, #tpu.memory_space<vmem>> -> memref<1x128xi32, #tpu.memory_space<vmem>>
    %dma_wait3A_426 = tpu.memref_squeeze %dma_wait3A_425 : memref<1x128xi32, #tpu.memory_space<vmem>> -> memref<128xi32, #tpu.memory_space<vmem>>
    %dma_wait3A_427 = arith.constant 0 : i32
    %dma_wait3A_428 = arith.constant 0 : i32
    %dma_wait3A_429 = tpu.memref_slice %arg3[%dma_wait3A_427, %dma_wait3A_428] : memref<100000x64xf32, #tpu.memory_space<hbm>> -> memref<100000x64xf32, #tpu.memory_space<hbm>>
    %dma_wait3A_430 = tpu.memref_slice %arg7[%dma_wait3A_419] : memref<12x!tpu.dma_semaphore, #tpu.memory_space<semaphore_mem>> -> memref<1x!tpu.dma_semaphore, #tpu.memory_space<semaphore_mem>>
    %dma_wait3A_431 = tpu.memref_squeeze %dma_wait3A_430 : memref<1x!tpu.dma_semaphore, #tpu.memory_space<semaphore_mem>> -> memref<!tpu.dma_semaphore, #tpu.memory_space<semaphore_mem>>
    tpu.wait_indirect_dma semaphore(%dma_wait3A_431 : memref<!tpu.dma_semaphore, #tpu.memory_space<semaphore_mem>>) src(%dma_wait3A_429 : memref<100000x64xf32, #tpu.memory_space<hbm>>) dst(%dma_wait3A_423 : memref<128x64xf32, #tpu.memory_space<vmem>>)
    %add3A_432 = arith.constant 5760 : i32
    %add3A_433 = arith.addi %mul3A_2, %add3A_432 : i32
    %dma_start3A_434 = arith.constant 9 : i32
    %dma_start3A_435 = arith.constant 9 : i32
    %dma_start3A_436 = arith.constant 0 : i32
    %dma_start3A_437 = arith.constant 0 : i32
    %dma_start3A_438 = tpu.memref_slice %arg6[%dma_start3A_434, %dma_start3A_436, %dma_start3A_437] : memref<12x128x64xf32, #tpu.memory_space<vmem>> -> memref<1x128x64xf32, #tpu.memory_space<vmem>>
    %dma_start3A_439 = tpu.memref_squeeze %dma_start3A_438 : memref<1x128x64xf32, #tpu.memory_space<vmem>> -> memref<128x64xf32, #tpu.memory_space<vmem>>
    %dma_start3A_440 = arith.constant 0 : i32
    %dma_start3A_441 = tpu.memref_slice %arg4[%add3A_433, %dma_start3A_440] : memref<204800x64xf32, #tpu.memory_space<hbm>> -> memref<128x64xf32, #tpu.memory_space<hbm>>
    %dma_start3A_442 = tpu.memref_slice %arg8[%dma_start3A_435] : memref<12x!tpu.dma_semaphore, #tpu.memory_space<semaphore_mem>> -> memref<1x!tpu.dma_semaphore, #tpu.memory_space<semaphore_mem>>
    %dma_start3A_443 = tpu.memref_squeeze %dma_start3A_442 : memref<1x!tpu.dma_semaphore, #tpu.memory_space<semaphore_mem>> -> memref<!tpu.dma_semaphore, #tpu.memory_space<semaphore_mem>>
    %dma_start3A_444 = arith.constant 0 : i32
    %dma_start3A_445 = tpu.memref_slice %arg4[%add3A_433, %dma_start3A_444] : memref<204800x64xf32, #tpu.memory_space<hbm>> -> memref<128x64xf32, #tpu.memory_space<hbm>>
    %dma_start3A_446 = arith.constant 0 : i32
    %dma_start3A_447 = arith.constant 0 : i32
    %dma_start3A_448 = tpu.memref_slice %arg6[%dma_start3A_434, %dma_start3A_446, %dma_start3A_447] : memref<12x128x64xf32, #tpu.memory_space<vmem>> -> memref<1x128x64xf32, #tpu.memory_space<vmem>>
    %dma_start3A_449 = tpu.memref_squeeze %dma_start3A_448 : memref<1x128x64xf32, #tpu.memory_space<vmem>> -> memref<128x64xf32, #tpu.memory_space<vmem>>
    tpu.enqueue_dma source(%dma_start3A_449 : memref<128x64xf32, #tpu.memory_space<vmem>>) target(%dma_start3A_445 : memref<128x64xf32, #tpu.memory_space<hbm>>) target_semaphore(%dma_start3A_443 : memref<!tpu.dma_semaphore, #tpu.memory_space<semaphore_mem>>)
    %dma_wait3A_450 = arith.constant 46 : i32
    %dma_wait3A_451 = arith.constant 10 : i32
    %dma_wait3A_452 = arith.constant 10 : i32
    %dma_wait3A_453 = arith.constant 0 : i32
    %dma_wait3A_454 = arith.constant 0 : i32
    %dma_wait3A_455 = tpu.memref_slice %arg6[%dma_wait3A_451, %dma_wait3A_453, %dma_wait3A_454] : memref<12x128x64xf32, #tpu.memory_space<vmem>> -> memref<1x128x64xf32, #tpu.memory_space<vmem>>
    %dma_wait3A_456 = tpu.memref_squeeze %dma_wait3A_455 : memref<1x128x64xf32, #tpu.memory_space<vmem>> -> memref<128x64xf32, #tpu.memory_space<vmem>>
    %dma_wait3A_457 = arith.constant 0 : i32
    %dma_wait3A_458 = tpu.memref_slice %arg5[%dma_wait3A_450, %dma_wait3A_457] : memref<50x128xi32, #tpu.memory_space<vmem>> -> memref<1x128xi32, #tpu.memory_space<vmem>>
    %dma_wait3A_459 = tpu.memref_squeeze %dma_wait3A_458 : memref<1x128xi32, #tpu.memory_space<vmem>> -> memref<128xi32, #tpu.memory_space<vmem>>
    %dma_wait3A_460 = arith.constant 0 : i32
    %dma_wait3A_461 = arith.constant 0 : i32
    %dma_wait3A_462 = tpu.memref_slice %arg3[%dma_wait3A_460, %dma_wait3A_461] : memref<100000x64xf32, #tpu.memory_space<hbm>> -> memref<100000x64xf32, #tpu.memory_space<hbm>>
    %dma_wait3A_463 = tpu.memref_slice %arg7[%dma_wait3A_452] : memref<12x!tpu.dma_semaphore, #tpu.memory_space<semaphore_mem>> -> memref<1x!tpu.dma_semaphore, #tpu.memory_space<semaphore_mem>>
    %dma_wait3A_464 = tpu.memref_squeeze %dma_wait3A_463 : memref<1x!tpu.dma_semaphore, #tpu.memory_space<semaphore_mem>> -> memref<!tpu.dma_semaphore, #tpu.memory_space<semaphore_mem>>
    tpu.wait_indirect_dma semaphore(%dma_wait3A_464 : memref<!tpu.dma_semaphore, #tpu.memory_space<semaphore_mem>>) src(%dma_wait3A_462 : memref<100000x64xf32, #tpu.memory_space<hbm>>) dst(%dma_wait3A_456 : memref<128x64xf32, #tpu.memory_space<vmem>>)
    %add3A_465 = arith.constant 5888 : i32
    %add3A_466 = arith.addi %mul3A_2, %add3A_465 : i32
    %dma_start3A_467 = arith.constant 10 : i32
    %dma_start3A_468 = arith.constant 10 : i32
    %dma_start3A_469 = arith.constant 0 : i32
    %dma_start3A_470 = arith.constant 0 : i32
    %dma_start3A_471 = tpu.memref_slice %arg6[%dma_start3A_467, %dma_start3A_469, %dma_start3A_470] : memref<12x128x64xf32, #tpu.memory_space<vmem>> -> memref<1x128x64xf32, #tpu.memory_space<vmem>>
    %dma_start3A_472 = tpu.memref_squeeze %dma_start3A_471 : memref<1x128x64xf32, #tpu.memory_space<vmem>> -> memref<128x64xf32, #tpu.memory_space<vmem>>
    %dma_start3A_473 = arith.constant 0 : i32
    %dma_start3A_474 = tpu.memref_slice %arg4[%add3A_466, %dma_start3A_473] : memref<204800x64xf32, #tpu.memory_space<hbm>> -> memref<128x64xf32, #tpu.memory_space<hbm>>
    %dma_start3A_475 = tpu.memref_slice %arg8[%dma_start3A_468] : memref<12x!tpu.dma_semaphore, #tpu.memory_space<semaphore_mem>> -> memref<1x!tpu.dma_semaphore, #tpu.memory_space<semaphore_mem>>
    %dma_start3A_476 = tpu.memref_squeeze %dma_start3A_475 : memref<1x!tpu.dma_semaphore, #tpu.memory_space<semaphore_mem>> -> memref<!tpu.dma_semaphore, #tpu.memory_space<semaphore_mem>>
    %dma_start3A_477 = arith.constant 0 : i32
    %dma_start3A_478 = tpu.memref_slice %arg4[%add3A_466, %dma_start3A_477] : memref<204800x64xf32, #tpu.memory_space<hbm>> -> memref<128x64xf32, #tpu.memory_space<hbm>>
    %dma_start3A_479 = arith.constant 0 : i32
    %dma_start3A_480 = arith.constant 0 : i32
    %dma_start3A_481 = tpu.memref_slice %arg6[%dma_start3A_467, %dma_start3A_479, %dma_start3A_480] : memref<12x128x64xf32, #tpu.memory_space<vmem>> -> memref<1x128x64xf32, #tpu.memory_space<vmem>>
    %dma_start3A_482 = tpu.memref_squeeze %dma_start3A_481 : memref<1x128x64xf32, #tpu.memory_space<vmem>> -> memref<128x64xf32, #tpu.memory_space<vmem>>
    tpu.enqueue_dma source(%dma_start3A_482 : memref<128x64xf32, #tpu.memory_space<vmem>>) target(%dma_start3A_478 : memref<128x64xf32, #tpu.memory_space<hbm>>) target_semaphore(%dma_start3A_476 : memref<!tpu.dma_semaphore, #tpu.memory_space<semaphore_mem>>)
    %dma_wait3A_483 = arith.constant 47 : i32
    %dma_wait3A_484 = arith.constant 11 : i32
    %dma_wait3A_485 = arith.constant 11 : i32
    %dma_wait3A_486 = arith.constant 0 : i32
    %dma_wait3A_487 = arith.constant 0 : i32
    %dma_wait3A_488 = tpu.memref_slice %arg6[%dma_wait3A_484, %dma_wait3A_486, %dma_wait3A_487] : memref<12x128x64xf32, #tpu.memory_space<vmem>> -> memref<1x128x64xf32, #tpu.memory_space<vmem>>
    %dma_wait3A_489 = tpu.memref_squeeze %dma_wait3A_488 : memref<1x128x64xf32, #tpu.memory_space<vmem>> -> memref<128x64xf32, #tpu.memory_space<vmem>>
    %dma_wait3A_490 = arith.constant 0 : i32
    %dma_wait3A_491 = tpu.memref_slice %arg5[%dma_wait3A_483, %dma_wait3A_490] : memref<50x128xi32, #tpu.memory_space<vmem>> -> memref<1x128xi32, #tpu.memory_space<vmem>>
    %dma_wait3A_492 = tpu.memref_squeeze %dma_wait3A_491 : memref<1x128xi32, #tpu.memory_space<vmem>> -> memref<128xi32, #tpu.memory_space<vmem>>
    %dma_wait3A_493 = arith.constant 0 : i32
    %dma_wait3A_494 = arith.constant 0 : i32
    %dma_wait3A_495 = tpu.memref_slice %arg3[%dma_wait3A_493, %dma_wait3A_494] : memref<100000x64xf32, #tpu.memory_space<hbm>> -> memref<100000x64xf32, #tpu.memory_space<hbm>>
    %dma_wait3A_496 = tpu.memref_slice %arg7[%dma_wait3A_485] : memref<12x!tpu.dma_semaphore, #tpu.memory_space<semaphore_mem>> -> memref<1x!tpu.dma_semaphore, #tpu.memory_space<semaphore_mem>>
    %dma_wait3A_497 = tpu.memref_squeeze %dma_wait3A_496 : memref<1x!tpu.dma_semaphore, #tpu.memory_space<semaphore_mem>> -> memref<!tpu.dma_semaphore, #tpu.memory_space<semaphore_mem>>
    tpu.wait_indirect_dma semaphore(%dma_wait3A_497 : memref<!tpu.dma_semaphore, #tpu.memory_space<semaphore_mem>>) src(%dma_wait3A_495 : memref<100000x64xf32, #tpu.memory_space<hbm>>) dst(%dma_wait3A_489 : memref<128x64xf32, #tpu.memory_space<vmem>>)
    %add3A_498 = arith.constant 6016 : i32
    %add3A_499 = arith.addi %mul3A_2, %add3A_498 : i32
    %dma_start3A_500 = arith.constant 11 : i32
    %dma_start3A_501 = arith.constant 11 : i32
    %dma_start3A_502 = arith.constant 0 : i32
    %dma_start3A_503 = arith.constant 0 : i32
    %dma_start3A_504 = tpu.memref_slice %arg6[%dma_start3A_500, %dma_start3A_502, %dma_start3A_503] : memref<12x128x64xf32, #tpu.memory_space<vmem>> -> memref<1x128x64xf32, #tpu.memory_space<vmem>>
    %dma_start3A_505 = tpu.memref_squeeze %dma_start3A_504 : memref<1x128x64xf32, #tpu.memory_space<vmem>> -> memref<128x64xf32, #tpu.memory_space<vmem>>
    %dma_start3A_506 = arith.constant 0 : i32
    %dma_start3A_507 = tpu.memref_slice %arg4[%add3A_499, %dma_start3A_506] : memref<204800x64xf32, #tpu.memory_space<hbm>> -> memref<128x64xf32, #tpu.memory_space<hbm>>
    %dma_start3A_508 = tpu.memref_slice %arg8[%dma_start3A_501] : memref<12x!tpu.dma_semaphore, #tpu.memory_space<semaphore_mem>> -> memref<1x!tpu.dma_semaphore, #tpu.memory_space<semaphore_mem>>
    %dma_start3A_509 = tpu.memref_squeeze %dma_start3A_508 : memref<1x!tpu.dma_semaphore, #tpu.memory_space<semaphore_mem>> -> memref<!tpu.dma_semaphore, #tpu.memory_space<semaphore_mem>>
    %dma_start3A_510 = arith.constant 0 : i32
    %dma_start3A_511 = tpu.memref_slice %arg4[%add3A_499, %dma_start3A_510] : memref<204800x64xf32, #tpu.memory_space<hbm>> -> memref<128x64xf32, #tpu.memory_space<hbm>>
    %dma_start3A_512 = arith.constant 0 : i32
    %dma_start3A_513 = arith.constant 0 : i32
    %dma_start3A_514 = tpu.memref_slice %arg6[%dma_start3A_500, %dma_start3A_512, %dma_start3A_513] : memref<12x128x64xf32, #tpu.memory_space<vmem>> -> memref<1x128x64xf32, #tpu.memory_space<vmem>>
    %dma_start3A_515 = tpu.memref_squeeze %dma_start3A_514 : memref<1x128x64xf32, #tpu.memory_space<vmem>> -> memref<128x64xf32, #tpu.memory_space<vmem>>
    tpu.enqueue_dma source(%dma_start3A_515 : memref<128x64xf32, #tpu.memory_space<vmem>>) target(%dma_start3A_511 : memref<128x64xf32, #tpu.memory_space<hbm>>) target_semaphore(%dma_start3A_509 : memref<!tpu.dma_semaphore, #tpu.memory_space<semaphore_mem>>)
    %dma_wait3A_516 = arith.constant 48 : i32
    %dma_wait3A_517 = arith.constant 0 : i32
    %dma_wait3A_518 = arith.constant 0 : i32
    %dma_wait3A_519 = arith.constant 0 : i32
    %dma_wait3A_520 = arith.constant 0 : i32
    %dma_wait3A_521 = tpu.memref_slice %arg6[%dma_wait3A_517, %dma_wait3A_519, %dma_wait3A_520] : memref<12x128x64xf32, #tpu.memory_space<vmem>> -> memref<1x128x64xf32, #tpu.memory_space<vmem>>
    %dma_wait3A_522 = tpu.memref_squeeze %dma_wait3A_521 : memref<1x128x64xf32, #tpu.memory_space<vmem>> -> memref<128x64xf32, #tpu.memory_space<vmem>>
    %dma_wait3A_523 = arith.constant 0 : i32
    %dma_wait3A_524 = tpu.memref_slice %arg5[%dma_wait3A_516, %dma_wait3A_523] : memref<50x128xi32, #tpu.memory_space<vmem>> -> memref<1x128xi32, #tpu.memory_space<vmem>>
    %dma_wait3A_525 = tpu.memref_squeeze %dma_wait3A_524 : memref<1x128xi32, #tpu.memory_space<vmem>> -> memref<128xi32, #tpu.memory_space<vmem>>
    %dma_wait3A_526 = arith.constant 0 : i32
    %dma_wait3A_527 = arith.constant 0 : i32
    %dma_wait3A_528 = tpu.memref_slice %arg3[%dma_wait3A_526, %dma_wait3A_527] : memref<100000x64xf32, #tpu.memory_space<hbm>> -> memref<100000x64xf32, #tpu.memory_space<hbm>>
    %dma_wait3A_529 = tpu.memref_slice %arg7[%dma_wait3A_518] : memref<12x!tpu.dma_semaphore, #tpu.memory_space<semaphore_mem>> -> memref<1x!tpu.dma_semaphore, #tpu.memory_space<semaphore_mem>>
    %dma_wait3A_530 = tpu.memref_squeeze %dma_wait3A_529 : memref<1x!tpu.dma_semaphore, #tpu.memory_space<semaphore_mem>> -> memref<!tpu.dma_semaphore, #tpu.memory_space<semaphore_mem>>
    tpu.wait_indirect_dma semaphore(%dma_wait3A_530 : memref<!tpu.dma_semaphore, #tpu.memory_space<semaphore_mem>>) src(%dma_wait3A_528 : memref<100000x64xf32, #tpu.memory_space<hbm>>) dst(%dma_wait3A_522 : memref<128x64xf32, #tpu.memory_space<vmem>>)
    %add3A_531 = arith.constant 6144 : i32
    %add3A_532 = arith.addi %mul3A_2, %add3A_531 : i32
    %dma_start3A_533 = arith.constant 0 : i32
    %dma_start3A_534 = arith.constant 0 : i32
    %dma_start3A_535 = arith.constant 0 : i32
    %dma_start3A_536 = arith.constant 0 : i32
    %dma_start3A_537 = tpu.memref_slice %arg6[%dma_start3A_533, %dma_start3A_535, %dma_start3A_536] : memref<12x128x64xf32, #tpu.memory_space<vmem>> -> memref<1x128x64xf32, #tpu.memory_space<vmem>>
    %dma_start3A_538 = tpu.memref_squeeze %dma_start3A_537 : memref<1x128x64xf32, #tpu.memory_space<vmem>> -> memref<128x64xf32, #tpu.memory_space<vmem>>
    %dma_start3A_539 = arith.constant 0 : i32
    %dma_start3A_540 = tpu.memref_slice %arg4[%add3A_532, %dma_start3A_539] : memref<204800x64xf32, #tpu.memory_space<hbm>> -> memref<128x64xf32, #tpu.memory_space<hbm>>
    %dma_start3A_541 = tpu.memref_slice %arg8[%dma_start3A_534] : memref<12x!tpu.dma_semaphore, #tpu.memory_space<semaphore_mem>> -> memref<1x!tpu.dma_semaphore, #tpu.memory_space<semaphore_mem>>
    %dma_start3A_542 = tpu.memref_squeeze %dma_start3A_541 : memref<1x!tpu.dma_semaphore, #tpu.memory_space<semaphore_mem>> -> memref<!tpu.dma_semaphore, #tpu.memory_space<semaphore_mem>>
    %dma_start3A_543 = arith.constant 0 : i32
    %dma_start3A_544 = tpu.memref_slice %arg4[%add3A_532, %dma_start3A_543] : memref<204800x64xf32, #tpu.memory_space<hbm>> -> memref<128x64xf32, #tpu.memory_space<hbm>>
    %dma_start3A_545 = arith.constant 0 : i32
    %dma_start3A_546 = arith.constant 0 : i32
    %dma_start3A_547 = tpu.memref_slice %arg6[%dma_start3A_533, %dma_start3A_545, %dma_start3A_546] : memref<12x128x64xf32, #tpu.memory_space<vmem>> -> memref<1x128x64xf32, #tpu.memory_space<vmem>>
    %dma_start3A_548 = tpu.memref_squeeze %dma_start3A_547 : memref<1x128x64xf32, #tpu.memory_space<vmem>> -> memref<128x64xf32, #tpu.memory_space<vmem>>
    tpu.enqueue_dma source(%dma_start3A_548 : memref<128x64xf32, #tpu.memory_space<vmem>>) target(%dma_start3A_544 : memref<128x64xf32, #tpu.memory_space<hbm>>) target_semaphore(%dma_start3A_542 : memref<!tpu.dma_semaphore, #tpu.memory_space<semaphore_mem>>)
    %dma_wait3A_549 = arith.constant 49 : i32
    %dma_wait3A_550 = arith.constant 1 : i32
    %dma_wait3A_551 = arith.constant 1 : i32
    %dma_wait3A_552 = arith.constant 0 : i32
    %dma_wait3A_553 = arith.constant 0 : i32
    %dma_wait3A_554 = tpu.memref_slice %arg6[%dma_wait3A_550, %dma_wait3A_552, %dma_wait3A_553] : memref<12x128x64xf32, #tpu.memory_space<vmem>> -> memref<1x128x64xf32, #tpu.memory_space<vmem>>
    %dma_wait3A_555 = tpu.memref_squeeze %dma_wait3A_554 : memref<1x128x64xf32, #tpu.memory_space<vmem>> -> memref<128x64xf32, #tpu.memory_space<vmem>>
    %dma_wait3A_556 = arith.constant 0 : i32
    %dma_wait3A_557 = tpu.memref_slice %arg5[%dma_wait3A_549, %dma_wait3A_556] : memref<50x128xi32, #tpu.memory_space<vmem>> -> memref<1x128xi32, #tpu.memory_space<vmem>>
    %dma_wait3A_558 = tpu.memref_squeeze %dma_wait3A_557 : memref<1x128xi32, #tpu.memory_space<vmem>> -> memref<128xi32, #tpu.memory_space<vmem>>
    %dma_wait3A_559 = arith.constant 0 : i32
    %dma_wait3A_560 = arith.constant 0 : i32
    %dma_wait3A_561 = tpu.memref_slice %arg3[%dma_wait3A_559, %dma_wait3A_560] : memref<100000x64xf32, #tpu.memory_space<hbm>> -> memref<100000x64xf32, #tpu.memory_space<hbm>>
    %dma_wait3A_562 = tpu.memref_slice %arg7[%dma_wait3A_551] : memref<12x!tpu.dma_semaphore, #tpu.memory_space<semaphore_mem>> -> memref<1x!tpu.dma_semaphore, #tpu.memory_space<semaphore_mem>>
    %dma_wait3A_563 = tpu.memref_squeeze %dma_wait3A_562 : memref<1x!tpu.dma_semaphore, #tpu.memory_space<semaphore_mem>> -> memref<!tpu.dma_semaphore, #tpu.memory_space<semaphore_mem>>
    tpu.wait_indirect_dma semaphore(%dma_wait3A_563 : memref<!tpu.dma_semaphore, #tpu.memory_space<semaphore_mem>>) src(%dma_wait3A_561 : memref<100000x64xf32, #tpu.memory_space<hbm>>) dst(%dma_wait3A_555 : memref<128x64xf32, #tpu.memory_space<vmem>>)
    %add3A_564 = arith.constant 6272 : i32
    %add3A_565 = arith.addi %mul3A_2, %add3A_564 : i32
    %dma_start3A_566 = arith.constant 1 : i32
    %dma_start3A_567 = arith.constant 1 : i32
    %dma_start3A_568 = arith.constant 0 : i32
    %dma_start3A_569 = arith.constant 0 : i32
    %dma_start3A_570 = tpu.memref_slice %arg6[%dma_start3A_566, %dma_start3A_568, %dma_start3A_569] : memref<12x128x64xf32, #tpu.memory_space<vmem>> -> memref<1x128x64xf32, #tpu.memory_space<vmem>>
    %dma_start3A_571 = tpu.memref_squeeze %dma_start3A_570 : memref<1x128x64xf32, #tpu.memory_space<vmem>> -> memref<128x64xf32, #tpu.memory_space<vmem>>
    %dma_start3A_572 = arith.constant 0 : i32
    %dma_start3A_573 = tpu.memref_slice %arg4[%add3A_565, %dma_start3A_572] : memref<204800x64xf32, #tpu.memory_space<hbm>> -> memref<128x64xf32, #tpu.memory_space<hbm>>
    %dma_start3A_574 = tpu.memref_slice %arg8[%dma_start3A_567] : memref<12x!tpu.dma_semaphore, #tpu.memory_space<semaphore_mem>> -> memref<1x!tpu.dma_semaphore, #tpu.memory_space<semaphore_mem>>
    %dma_start3A_575 = tpu.memref_squeeze %dma_start3A_574 : memref<1x!tpu.dma_semaphore, #tpu.memory_space<semaphore_mem>> -> memref<!tpu.dma_semaphore, #tpu.memory_space<semaphore_mem>>
    %dma_start3A_576 = arith.constant 0 : i32
    %dma_start3A_577 = tpu.memref_slice %arg4[%add3A_565, %dma_start3A_576] : memref<204800x64xf32, #tpu.memory_space<hbm>> -> memref<128x64xf32, #tpu.memory_space<hbm>>
    %dma_start3A_578 = arith.constant 0 : i32
    %dma_start3A_579 = arith.constant 0 : i32
    %dma_start3A_580 = tpu.memref_slice %arg6[%dma_start3A_566, %dma_start3A_578, %dma_start3A_579] : memref<12x128x64xf32, #tpu.memory_space<vmem>> -> memref<1x128x64xf32, #tpu.memory_space<vmem>>
    %dma_start3A_581 = tpu.memref_squeeze %dma_start3A_580 : memref<1x128x64xf32, #tpu.memory_space<vmem>> -> memref<128x64xf32, #tpu.memory_space<vmem>>
    tpu.enqueue_dma source(%dma_start3A_581 : memref<128x64xf32, #tpu.memory_space<vmem>>) target(%dma_start3A_577 : memref<128x64xf32, #tpu.memory_space<hbm>>) target_semaphore(%dma_start3A_575 : memref<!tpu.dma_semaphore, #tpu.memory_space<semaphore_mem>>)
    %add3A_582 = arith.constant 4864 : i32
    %add3A_583 = arith.addi %mul3A_2, %add3A_582 : i32
    %dma_wait3A_584 = arith.constant 2 : i32
    %dma_wait3A_585 = arith.constant 2 : i32
    %dma_wait3A_586 = arith.constant 0 : i32
    %dma_wait3A_587 = arith.constant 0 : i32
    %dma_wait3A_588 = tpu.memref_slice %arg6[%dma_wait3A_584, %dma_wait3A_586, %dma_wait3A_587] : memref<12x128x64xf32, #tpu.memory_space<vmem>> -> memref<1x128x64xf32, #tpu.memory_space<vmem>>
    %dma_wait3A_589 = tpu.memref_squeeze %dma_wait3A_588 : memref<1x128x64xf32, #tpu.memory_space<vmem>> -> memref<128x64xf32, #tpu.memory_space<vmem>>
    %dma_wait3A_590 = arith.constant 0 : i32
    %dma_wait3A_591 = tpu.memref_slice %arg4[%add3A_583, %dma_wait3A_590] : memref<204800x64xf32, #tpu.memory_space<hbm>> -> memref<128x64xf32, #tpu.memory_space<hbm>>
    %dma_wait3A_592 = tpu.memref_slice %arg8[%dma_wait3A_585] : memref<12x!tpu.dma_semaphore, #tpu.memory_space<semaphore_mem>> -> memref<1x!tpu.dma_semaphore, #tpu.memory_space<semaphore_mem>>
    %dma_wait3A_593 = tpu.memref_squeeze %dma_wait3A_592 : memref<1x!tpu.dma_semaphore, #tpu.memory_space<semaphore_mem>> -> memref<!tpu.dma_semaphore, #tpu.memory_space<semaphore_mem>>
    %dma_wait3A_594 = arith.constant 0 : i32
    %dma_wait3A_595 = tpu.memref_slice %arg4[%add3A_583, %dma_wait3A_594] : memref<204800x64xf32, #tpu.memory_space<hbm>> -> memref<128x64xf32, #tpu.memory_space<hbm>>
    %dma_wait3A_596 = arith.constant 0 : i32
    %dma_wait3A_597 = arith.constant 0 : i32
    %dma_wait3A_598 = tpu.memref_slice %arg6[%dma_wait3A_584, %dma_wait3A_596, %dma_wait3A_597] : memref<12x128x64xf32, #tpu.memory_space<vmem>> -> memref<1x128x64xf32, #tpu.memory_space<vmem>>
    %dma_wait3A_599 = tpu.memref_squeeze %dma_wait3A_598 : memref<1x128x64xf32, #tpu.memory_space<vmem>> -> memref<128x64xf32, #tpu.memory_space<vmem>>
    tpu.wait_dma2 semaphore(%dma_wait3A_593 : memref<!tpu.dma_semaphore, #tpu.memory_space<semaphore_mem>>) src(%dma_wait3A_599 : memref<128x64xf32, #tpu.memory_space<vmem>>) dst(%dma_wait3A_595 : memref<128x64xf32, #tpu.memory_space<hbm>>)
    %add3A_600 = arith.constant 4992 : i32
    %add3A_601 = arith.addi %mul3A_2, %add3A_600 : i32
    %dma_wait3A_602 = arith.constant 3 : i32
    %dma_wait3A_603 = arith.constant 3 : i32
    %dma_wait3A_604 = arith.constant 0 : i32
    %dma_wait3A_605 = arith.constant 0 : i32
    %dma_wait3A_606 = tpu.memref_slice %arg6[%dma_wait3A_602, %dma_wait3A_604, %dma_wait3A_605] : memref<12x128x64xf32, #tpu.memory_space<vmem>> -> memref<1x128x64xf32, #tpu.memory_space<vmem>>
    %dma_wait3A_607 = tpu.memref_squeeze %dma_wait3A_606 : memref<1x128x64xf32, #tpu.memory_space<vmem>> -> memref<128x64xf32, #tpu.memory_space<vmem>>
    %dma_wait3A_608 = arith.constant 0 : i32
    %dma_wait3A_609 = tpu.memref_slice %arg4[%add3A_601, %dma_wait3A_608] : memref<204800x64xf32, #tpu.memory_space<hbm>> -> memref<128x64xf32, #tpu.memory_space<hbm>>
    %dma_wait3A_610 = tpu.memref_slice %arg8[%dma_wait3A_603] : memref<12x!tpu.dma_semaphore, #tpu.memory_space<semaphore_mem>> -> memref<1x!tpu.dma_semaphore, #tpu.memory_space<semaphore_mem>>
    %dma_wait3A_611 = tpu.memref_squeeze %dma_wait3A_610 : memref<1x!tpu.dma_semaphore, #tpu.memory_space<semaphore_mem>> -> memref<!tpu.dma_semaphore, #tpu.memory_space<semaphore_mem>>
    %dma_wait3A_612 = arith.constant 0 : i32
    %dma_wait3A_613 = tpu.memref_slice %arg4[%add3A_601, %dma_wait3A_612] : memref<204800x64xf32, #tpu.memory_space<hbm>> -> memref<128x64xf32, #tpu.memory_space<hbm>>
    %dma_wait3A_614 = arith.constant 0 : i32
    %dma_wait3A_615 = arith.constant 0 : i32
    %dma_wait3A_616 = tpu.memref_slice %arg6[%dma_wait3A_602, %dma_wait3A_614, %dma_wait3A_615] : memref<12x128x64xf32, #tpu.memory_space<vmem>> -> memref<1x128x64xf32, #tpu.memory_space<vmem>>
    %dma_wait3A_617 = tpu.memref_squeeze %dma_wait3A_616 : memref<1x128x64xf32, #tpu.memory_space<vmem>> -> memref<128x64xf32, #tpu.memory_space<vmem>>
    tpu.wait_dma2 semaphore(%dma_wait3A_611 : memref<!tpu.dma_semaphore, #tpu.memory_space<semaphore_mem>>) src(%dma_wait3A_617 : memref<128x64xf32, #tpu.memory_space<vmem>>) dst(%dma_wait3A_613 : memref<128x64xf32, #tpu.memory_space<hbm>>)
    %add3A_618 = arith.constant 5120 : i32
    %add3A_619 = arith.addi %mul3A_2, %add3A_618 : i32
    %dma_wait3A_620 = arith.constant 4 : i32
    %dma_wait3A_621 = arith.constant 4 : i32
    %dma_wait3A_622 = arith.constant 0 : i32
    %dma_wait3A_623 = arith.constant 0 : i32
    %dma_wait3A_624 = tpu.memref_slice %arg6[%dma_wait3A_620, %dma_wait3A_622, %dma_wait3A_623] : memref<12x128x64xf32, #tpu.memory_space<vmem>> -> memref<1x128x64xf32, #tpu.memory_space<vmem>>
    %dma_wait3A_625 = tpu.memref_squeeze %dma_wait3A_624 : memref<1x128x64xf32, #tpu.memory_space<vmem>> -> memref<128x64xf32, #tpu.memory_space<vmem>>
    %dma_wait3A_626 = arith.constant 0 : i32
    %dma_wait3A_627 = tpu.memref_slice %arg4[%add3A_619, %dma_wait3A_626] : memref<204800x64xf32, #tpu.memory_space<hbm>> -> memref<128x64xf32, #tpu.memory_space<hbm>>
    %dma_wait3A_628 = tpu.memref_slice %arg8[%dma_wait3A_621] : memref<12x!tpu.dma_semaphore, #tpu.memory_space<semaphore_mem>> -> memref<1x!tpu.dma_semaphore, #tpu.memory_space<semaphore_mem>>
    %dma_wait3A_629 = tpu.memref_squeeze %dma_wait3A_628 : memref<1x!tpu.dma_semaphore, #tpu.memory_space<semaphore_mem>> -> memref<!tpu.dma_semaphore, #tpu.memory_space<semaphore_mem>>
    %dma_wait3A_630 = arith.constant 0 : i32
    %dma_wait3A_631 = tpu.memref_slice %arg4[%add3A_619, %dma_wait3A_630] : memref<204800x64xf32, #tpu.memory_space<hbm>> -> memref<128x64xf32, #tpu.memory_space<hbm>>
    %dma_wait3A_632 = arith.constant 0 : i32
    %dma_wait3A_633 = arith.constant 0 : i32
    %dma_wait3A_634 = tpu.memref_slice %arg6[%dma_wait3A_620, %dma_wait3A_632, %dma_wait3A_633] : memref<12x128x64xf32, #tpu.memory_space<vmem>> -> memref<1x128x64xf32, #tpu.memory_space<vmem>>
    %dma_wait3A_635 = tpu.memref_squeeze %dma_wait3A_634 : memref<1x128x64xf32, #tpu.memory_space<vmem>> -> memref<128x64xf32, #tpu.memory_space<vmem>>
    tpu.wait_dma2 semaphore(%dma_wait3A_629 : memref<!tpu.dma_semaphore, #tpu.memory_space<semaphore_mem>>) src(%dma_wait3A_635 : memref<128x64xf32, #tpu.memory_space<vmem>>) dst(%dma_wait3A_631 : memref<128x64xf32, #tpu.memory_space<hbm>>)
    %add3A_636 = arith.constant 5248 : i32
    %add3A_637 = arith.addi %mul3A_2, %add3A_636 : i32
    %dma_wait3A_638 = arith.constant 5 : i32
    %dma_wait3A_639 = arith.constant 5 : i32
    %dma_wait3A_640 = arith.constant 0 : i32
    %dma_wait3A_641 = arith.constant 0 : i32
    %dma_wait3A_642 = tpu.memref_slice %arg6[%dma_wait3A_638, %dma_wait3A_640, %dma_wait3A_641] : memref<12x128x64xf32, #tpu.memory_space<vmem>> -> memref<1x128x64xf32, #tpu.memory_space<vmem>>
    %dma_wait3A_643 = tpu.memref_squeeze %dma_wait3A_642 : memref<1x128x64xf32, #tpu.memory_space<vmem>> -> memref<128x64xf32, #tpu.memory_space<vmem>>
    %dma_wait3A_644 = arith.constant 0 : i32
    %dma_wait3A_645 = tpu.memref_slice %arg4[%add3A_637, %dma_wait3A_644] : memref<204800x64xf32, #tpu.memory_space<hbm>> -> memref<128x64xf32, #tpu.memory_space<hbm>>
    %dma_wait3A_646 = tpu.memref_slice %arg8[%dma_wait3A_639] : memref<12x!tpu.dma_semaphore, #tpu.memory_space<semaphore_mem>> -> memref<1x!tpu.dma_semaphore, #tpu.memory_space<semaphore_mem>>
    %dma_wait3A_647 = tpu.memref_squeeze %dma_wait3A_646 : memref<1x!tpu.dma_semaphore, #tpu.memory_space<semaphore_mem>> -> memref<!tpu.dma_semaphore, #tpu.memory_space<semaphore_mem>>
    %dma_wait3A_648 = arith.constant 0 : i32
    %dma_wait3A_649 = tpu.memref_slice %arg4[%add3A_637, %dma_wait3A_648] : memref<204800x64xf32, #tpu.memory_space<hbm>> -> memref<128x64xf32, #tpu.memory_space<hbm>>
    %dma_wait3A_650 = arith.constant 0 : i32
    %dma_wait3A_651 = arith.constant 0 : i32
    %dma_wait3A_652 = tpu.memref_slice %arg6[%dma_wait3A_638, %dma_wait3A_650, %dma_wait3A_651] : memref<12x128x64xf32, #tpu.memory_space<vmem>> -> memref<1x128x64xf32, #tpu.memory_space<vmem>>
    %dma_wait3A_653 = tpu.memref_squeeze %dma_wait3A_652 : memref<1x128x64xf32, #tpu.memory_space<vmem>> -> memref<128x64xf32, #tpu.memory_space<vmem>>
    tpu.wait_dma2 semaphore(%dma_wait3A_647 : memref<!tpu.dma_semaphore, #tpu.memory_space<semaphore_mem>>) src(%dma_wait3A_653 : memref<128x64xf32, #tpu.memory_space<vmem>>) dst(%dma_wait3A_649 : memref<128x64xf32, #tpu.memory_space<hbm>>)
    %add3A_654 = arith.constant 5376 : i32
    %add3A_655 = arith.addi %mul3A_2, %add3A_654 : i32
    %dma_wait3A_656 = arith.constant 6 : i32
    %dma_wait3A_657 = arith.constant 6 : i32
    %dma_wait3A_658 = arith.constant 0 : i32
    %dma_wait3A_659 = arith.constant 0 : i32
    %dma_wait3A_660 = tpu.memref_slice %arg6[%dma_wait3A_656, %dma_wait3A_658, %dma_wait3A_659] : memref<12x128x64xf32, #tpu.memory_space<vmem>> -> memref<1x128x64xf32, #tpu.memory_space<vmem>>
    %dma_wait3A_661 = tpu.memref_squeeze %dma_wait3A_660 : memref<1x128x64xf32, #tpu.memory_space<vmem>> -> memref<128x64xf32, #tpu.memory_space<vmem>>
    %dma_wait3A_662 = arith.constant 0 : i32
    %dma_wait3A_663 = tpu.memref_slice %arg4[%add3A_655, %dma_wait3A_662] : memref<204800x64xf32, #tpu.memory_space<hbm>> -> memref<128x64xf32, #tpu.memory_space<hbm>>
    %dma_wait3A_664 = tpu.memref_slice %arg8[%dma_wait3A_657] : memref<12x!tpu.dma_semaphore, #tpu.memory_space<semaphore_mem>> -> memref<1x!tpu.dma_semaphore, #tpu.memory_space<semaphore_mem>>
    %dma_wait3A_665 = tpu.memref_squeeze %dma_wait3A_664 : memref<1x!tpu.dma_semaphore, #tpu.memory_space<semaphore_mem>> -> memref<!tpu.dma_semaphore, #tpu.memory_space<semaphore_mem>>
    %dma_wait3A_666 = arith.constant 0 : i32
    %dma_wait3A_667 = tpu.memref_slice %arg4[%add3A_655, %dma_wait3A_666] : memref<204800x64xf32, #tpu.memory_space<hbm>> -> memref<128x64xf32, #tpu.memory_space<hbm>>
    %dma_wait3A_668 = arith.constant 0 : i32
    %dma_wait3A_669 = arith.constant 0 : i32
    %dma_wait3A_670 = tpu.memref_slice %arg6[%dma_wait3A_656, %dma_wait3A_668, %dma_wait3A_669] : memref<12x128x64xf32, #tpu.memory_space<vmem>> -> memref<1x128x64xf32, #tpu.memory_space<vmem>>
    %dma_wait3A_671 = tpu.memref_squeeze %dma_wait3A_670 : memref<1x128x64xf32, #tpu.memory_space<vmem>> -> memref<128x64xf32, #tpu.memory_space<vmem>>
    tpu.wait_dma2 semaphore(%dma_wait3A_665 : memref<!tpu.dma_semaphore, #tpu.memory_space<semaphore_mem>>) src(%dma_wait3A_671 : memref<128x64xf32, #tpu.memory_space<vmem>>) dst(%dma_wait3A_667 : memref<128x64xf32, #tpu.memory_space<hbm>>)
    %add3A_672 = arith.constant 5504 : i32
    %add3A_673 = arith.addi %mul3A_2, %add3A_672 : i32
    %dma_wait3A_674 = arith.constant 7 : i32
    %dma_wait3A_675 = arith.constant 7 : i32
    %dma_wait3A_676 = arith.constant 0 : i32
    %dma_wait3A_677 = arith.constant 0 : i32
    %dma_wait3A_678 = tpu.memref_slice %arg6[%dma_wait3A_674, %dma_wait3A_676, %dma_wait3A_677] : memref<12x128x64xf32, #tpu.memory_space<vmem>> -> memref<1x128x64xf32, #tpu.memory_space<vmem>>
    %dma_wait3A_679 = tpu.memref_squeeze %dma_wait3A_678 : memref<1x128x64xf32, #tpu.memory_space<vmem>> -> memref<128x64xf32, #tpu.memory_space<vmem>>
    %dma_wait3A_680 = arith.constant 0 : i32
    %dma_wait3A_681 = tpu.memref_slice %arg4[%add3A_673, %dma_wait3A_680] : memref<204800x64xf32, #tpu.memory_space<hbm>> -> memref<128x64xf32, #tpu.memory_space<hbm>>
    %dma_wait3A_682 = tpu.memref_slice %arg8[%dma_wait3A_675] : memref<12x!tpu.dma_semaphore, #tpu.memory_space<semaphore_mem>> -> memref<1x!tpu.dma_semaphore, #tpu.memory_space<semaphore_mem>>
    %dma_wait3A_683 = tpu.memref_squeeze %dma_wait3A_682 : memref<1x!tpu.dma_semaphore, #tpu.memory_space<semaphore_mem>> -> memref<!tpu.dma_semaphore, #tpu.memory_space<semaphore_mem>>
    %dma_wait3A_684 = arith.constant 0 : i32
    %dma_wait3A_685 = tpu.memref_slice %arg4[%add3A_673, %dma_wait3A_684] : memref<204800x64xf32, #tpu.memory_space<hbm>> -> memref<128x64xf32, #tpu.memory_space<hbm>>
    %dma_wait3A_686 = arith.constant 0 : i32
    %dma_wait3A_687 = arith.constant 0 : i32
    %dma_wait3A_688 = tpu.memref_slice %arg6[%dma_wait3A_674, %dma_wait3A_686, %dma_wait3A_687] : memref<12x128x64xf32, #tpu.memory_space<vmem>> -> memref<1x128x64xf32, #tpu.memory_space<vmem>>
    %dma_wait3A_689 = tpu.memref_squeeze %dma_wait3A_688 : memref<1x128x64xf32, #tpu.memory_space<vmem>> -> memref<128x64xf32, #tpu.memory_space<vmem>>
    tpu.wait_dma2 semaphore(%dma_wait3A_683 : memref<!tpu.dma_semaphore, #tpu.memory_space<semaphore_mem>>) src(%dma_wait3A_689 : memref<128x64xf32, #tpu.memory_space<vmem>>) dst(%dma_wait3A_685 : memref<128x64xf32, #tpu.memory_space<hbm>>)
    %add3A_690 = arith.constant 5632 : i32
    %add3A_691 = arith.addi %mul3A_2, %add3A_690 : i32
    %dma_wait3A_692 = arith.constant 8 : i32
    %dma_wait3A_693 = arith.constant 8 : i32
    %dma_wait3A_694 = arith.constant 0 : i32
    %dma_wait3A_695 = arith.constant 0 : i32
    %dma_wait3A_696 = tpu.memref_slice %arg6[%dma_wait3A_692, %dma_wait3A_694, %dma_wait3A_695] : memref<12x128x64xf32, #tpu.memory_space<vmem>> -> memref<1x128x64xf32, #tpu.memory_space<vmem>>
    %dma_wait3A_697 = tpu.memref_squeeze %dma_wait3A_696 : memref<1x128x64xf32, #tpu.memory_space<vmem>> -> memref<128x64xf32, #tpu.memory_space<vmem>>
    %dma_wait3A_698 = arith.constant 0 : i32
    %dma_wait3A_699 = tpu.memref_slice %arg4[%add3A_691, %dma_wait3A_698] : memref<204800x64xf32, #tpu.memory_space<hbm>> -> memref<128x64xf32, #tpu.memory_space<hbm>>
    %dma_wait3A_700 = tpu.memref_slice %arg8[%dma_wait3A_693] : memref<12x!tpu.dma_semaphore, #tpu.memory_space<semaphore_mem>> -> memref<1x!tpu.dma_semaphore, #tpu.memory_space<semaphore_mem>>
    %dma_wait3A_701 = tpu.memref_squeeze %dma_wait3A_700 : memref<1x!tpu.dma_semaphore, #tpu.memory_space<semaphore_mem>> -> memref<!tpu.dma_semaphore, #tpu.memory_space<semaphore_mem>>
    %dma_wait3A_702 = arith.constant 0 : i32
    %dma_wait3A_703 = tpu.memref_slice %arg4[%add3A_691, %dma_wait3A_702] : memref<204800x64xf32, #tpu.memory_space<hbm>> -> memref<128x64xf32, #tpu.memory_space<hbm>>
    %dma_wait3A_704 = arith.constant 0 : i32
    %dma_wait3A_705 = arith.constant 0 : i32
    %dma_wait3A_706 = tpu.memref_slice %arg6[%dma_wait3A_692, %dma_wait3A_704, %dma_wait3A_705] : memref<12x128x64xf32, #tpu.memory_space<vmem>> -> memref<1x128x64xf32, #tpu.memory_space<vmem>>
    %dma_wait3A_707 = tpu.memref_squeeze %dma_wait3A_706 : memref<1x128x64xf32, #tpu.memory_space<vmem>> -> memref<128x64xf32, #tpu.memory_space<vmem>>
    tpu.wait_dma2 semaphore(%dma_wait3A_701 : memref<!tpu.dma_semaphore, #tpu.memory_space<semaphore_mem>>) src(%dma_wait3A_707 : memref<128x64xf32, #tpu.memory_space<vmem>>) dst(%dma_wait3A_703 : memref<128x64xf32, #tpu.memory_space<hbm>>)
    %add3A_708 = arith.constant 5760 : i32
    %add3A_709 = arith.addi %mul3A_2, %add3A_708 : i32
    %dma_wait3A_710 = arith.constant 9 : i32
    %dma_wait3A_711 = arith.constant 9 : i32
    %dma_wait3A_712 = arith.constant 0 : i32
    %dma_wait3A_713 = arith.constant 0 : i32
    %dma_wait3A_714 = tpu.memref_slice %arg6[%dma_wait3A_710, %dma_wait3A_712, %dma_wait3A_713] : memref<12x128x64xf32, #tpu.memory_space<vmem>> -> memref<1x128x64xf32, #tpu.memory_space<vmem>>
    %dma_wait3A_715 = tpu.memref_squeeze %dma_wait3A_714 : memref<1x128x64xf32, #tpu.memory_space<vmem>> -> memref<128x64xf32, #tpu.memory_space<vmem>>
    %dma_wait3A_716 = arith.constant 0 : i32
    %dma_wait3A_717 = tpu.memref_slice %arg4[%add3A_709, %dma_wait3A_716] : memref<204800x64xf32, #tpu.memory_space<hbm>> -> memref<128x64xf32, #tpu.memory_space<hbm>>
    %dma_wait3A_718 = tpu.memref_slice %arg8[%dma_wait3A_711] : memref<12x!tpu.dma_semaphore, #tpu.memory_space<semaphore_mem>> -> memref<1x!tpu.dma_semaphore, #tpu.memory_space<semaphore_mem>>
    %dma_wait3A_719 = tpu.memref_squeeze %dma_wait3A_718 : memref<1x!tpu.dma_semaphore, #tpu.memory_space<semaphore_mem>> -> memref<!tpu.dma_semaphore, #tpu.memory_space<semaphore_mem>>
    %dma_wait3A_720 = arith.constant 0 : i32
    %dma_wait3A_721 = tpu.memref_slice %arg4[%add3A_709, %dma_wait3A_720] : memref<204800x64xf32, #tpu.memory_space<hbm>> -> memref<128x64xf32, #tpu.memory_space<hbm>>
    %dma_wait3A_722 = arith.constant 0 : i32
    %dma_wait3A_723 = arith.constant 0 : i32
    %dma_wait3A_724 = tpu.memref_slice %arg6[%dma_wait3A_710, %dma_wait3A_722, %dma_wait3A_723] : memref<12x128x64xf32, #tpu.memory_space<vmem>> -> memref<1x128x64xf32, #tpu.memory_space<vmem>>
    %dma_wait3A_725 = tpu.memref_squeeze %dma_wait3A_724 : memref<1x128x64xf32, #tpu.memory_space<vmem>> -> memref<128x64xf32, #tpu.memory_space<vmem>>
    tpu.wait_dma2 semaphore(%dma_wait3A_719 : memref<!tpu.dma_semaphore, #tpu.memory_space<semaphore_mem>>) src(%dma_wait3A_725 : memref<128x64xf32, #tpu.memory_space<vmem>>) dst(%dma_wait3A_721 : memref<128x64xf32, #tpu.memory_space<hbm>>)
    %add3A_726 = arith.constant 5888 : i32
    %add3A_727 = arith.addi %mul3A_2, %add3A_726 : i32
    %dma_wait3A_728 = arith.constant 10 : i32
    %dma_wait3A_729 = arith.constant 10 : i32
    %dma_wait3A_730 = arith.constant 0 : i32
    %dma_wait3A_731 = arith.constant 0 : i32
    %dma_wait3A_732 = tpu.memref_slice %arg6[%dma_wait3A_728, %dma_wait3A_730, %dma_wait3A_731] : memref<12x128x64xf32, #tpu.memory_space<vmem>> -> memref<1x128x64xf32, #tpu.memory_space<vmem>>
    %dma_wait3A_733 = tpu.memref_squeeze %dma_wait3A_732 : memref<1x128x64xf32, #tpu.memory_space<vmem>> -> memref<128x64xf32, #tpu.memory_space<vmem>>
    %dma_wait3A_734 = arith.constant 0 : i32
    %dma_wait3A_735 = tpu.memref_slice %arg4[%add3A_727, %dma_wait3A_734] : memref<204800x64xf32, #tpu.memory_space<hbm>> -> memref<128x64xf32, #tpu.memory_space<hbm>>
    %dma_wait3A_736 = tpu.memref_slice %arg8[%dma_wait3A_729] : memref<12x!tpu.dma_semaphore, #tpu.memory_space<semaphore_mem>> -> memref<1x!tpu.dma_semaphore, #tpu.memory_space<semaphore_mem>>
    %dma_wait3A_737 = tpu.memref_squeeze %dma_wait3A_736 : memref<1x!tpu.dma_semaphore, #tpu.memory_space<semaphore_mem>> -> memref<!tpu.dma_semaphore, #tpu.memory_space<semaphore_mem>>
    %dma_wait3A_738 = arith.constant 0 : i32
    %dma_wait3A_739 = tpu.memref_slice %arg4[%add3A_727, %dma_wait3A_738] : memref<204800x64xf32, #tpu.memory_space<hbm>> -> memref<128x64xf32, #tpu.memory_space<hbm>>
    %dma_wait3A_740 = arith.constant 0 : i32
    %dma_wait3A_741 = arith.constant 0 : i32
    %dma_wait3A_742 = tpu.memref_slice %arg6[%dma_wait3A_728, %dma_wait3A_740, %dma_wait3A_741] : memref<12x128x64xf32, #tpu.memory_space<vmem>> -> memref<1x128x64xf32, #tpu.memory_space<vmem>>
    %dma_wait3A_743 = tpu.memref_squeeze %dma_wait3A_742 : memref<1x128x64xf32, #tpu.memory_space<vmem>> -> memref<128x64xf32, #tpu.memory_space<vmem>>
    tpu.wait_dma2 semaphore(%dma_wait3A_737 : memref<!tpu.dma_semaphore, #tpu.memory_space<semaphore_mem>>) src(%dma_wait3A_743 : memref<128x64xf32, #tpu.memory_space<vmem>>) dst(%dma_wait3A_739 : memref<128x64xf32, #tpu.memory_space<hbm>>)
    %add3A_744 = arith.constant 6016 : i32
    %add3A_745 = arith.addi %mul3A_2, %add3A_744 : i32
    %dma_wait3A_746 = arith.constant 11 : i32
    %dma_wait3A_747 = arith.constant 11 : i32
    %dma_wait3A_748 = arith.constant 0 : i32
    %dma_wait3A_749 = arith.constant 0 : i32
    %dma_wait3A_750 = tpu.memref_slice %arg6[%dma_wait3A_746, %dma_wait3A_748, %dma_wait3A_749] : memref<12x128x64xf32, #tpu.memory_space<vmem>> -> memref<1x128x64xf32, #tpu.memory_space<vmem>>
    %dma_wait3A_751 = tpu.memref_squeeze %dma_wait3A_750 : memref<1x128x64xf32, #tpu.memory_space<vmem>> -> memref<128x64xf32, #tpu.memory_space<vmem>>
    %dma_wait3A_752 = arith.constant 0 : i32
    %dma_wait3A_753 = tpu.memref_slice %arg4[%add3A_745, %dma_wait3A_752] : memref<204800x64xf32, #tpu.memory_space<hbm>> -> memref<128x64xf32, #tpu.memory_space<hbm>>
    %dma_wait3A_754 = tpu.memref_slice %arg8[%dma_wait3A_747] : memref<12x!tpu.dma_semaphore, #tpu.memory_space<semaphore_mem>> -> memref<1x!tpu.dma_semaphore, #tpu.memory_space<semaphore_mem>>
    %dma_wait3A_755 = tpu.memref_squeeze %dma_wait3A_754 : memref<1x!tpu.dma_semaphore, #tpu.memory_space<semaphore_mem>> -> memref<!tpu.dma_semaphore, #tpu.memory_space<semaphore_mem>>
    %dma_wait3A_756 = arith.constant 0 : i32
    %dma_wait3A_757 = tpu.memref_slice %arg4[%add3A_745, %dma_wait3A_756] : memref<204800x64xf32, #tpu.memory_space<hbm>> -> memref<128x64xf32, #tpu.memory_space<hbm>>
    %dma_wait3A_758 = arith.constant 0 : i32
    %dma_wait3A_759 = arith.constant 0 : i32
    %dma_wait3A_760 = tpu.memref_slice %arg6[%dma_wait3A_746, %dma_wait3A_758, %dma_wait3A_759] : memref<12x128x64xf32, #tpu.memory_space<vmem>> -> memref<1x128x64xf32, #tpu.memory_space<vmem>>
    %dma_wait3A_761 = tpu.memref_squeeze %dma_wait3A_760 : memref<1x128x64xf32, #tpu.memory_space<vmem>> -> memref<128x64xf32, #tpu.memory_space<vmem>>
    tpu.wait_dma2 semaphore(%dma_wait3A_755 : memref<!tpu.dma_semaphore, #tpu.memory_space<semaphore_mem>>) src(%dma_wait3A_761 : memref<128x64xf32, #tpu.memory_space<vmem>>) dst(%dma_wait3A_757 : memref<128x64xf32, #tpu.memory_space<hbm>>)
    %add3A_762 = arith.constant 6144 : i32
    %add3A_763 = arith.addi %mul3A_2, %add3A_762 : i32
    %dma_wait3A_764 = arith.constant 0 : i32
    %dma_wait3A_765 = arith.constant 0 : i32
    %dma_wait3A_766 = arith.constant 0 : i32
    %dma_wait3A_767 = arith.constant 0 : i32
    %dma_wait3A_768 = tpu.memref_slice %arg6[%dma_wait3A_764, %dma_wait3A_766, %dma_wait3A_767] : memref<12x128x64xf32, #tpu.memory_space<vmem>> -> memref<1x128x64xf32, #tpu.memory_space<vmem>>
    %dma_wait3A_769 = tpu.memref_squeeze %dma_wait3A_768 : memref<1x128x64xf32, #tpu.memory_space<vmem>> -> memref<128x64xf32, #tpu.memory_space<vmem>>
    %dma_wait3A_770 = arith.constant 0 : i32
    %dma_wait3A_771 = tpu.memref_slice %arg4[%add3A_763, %dma_wait3A_770] : memref<204800x64xf32, #tpu.memory_space<hbm>> -> memref<128x64xf32, #tpu.memory_space<hbm>>
    %dma_wait3A_772 = tpu.memref_slice %arg8[%dma_wait3A_765] : memref<12x!tpu.dma_semaphore, #tpu.memory_space<semaphore_mem>> -> memref<1x!tpu.dma_semaphore, #tpu.memory_space<semaphore_mem>>
    %dma_wait3A_773 = tpu.memref_squeeze %dma_wait3A_772 : memref<1x!tpu.dma_semaphore, #tpu.memory_space<semaphore_mem>> -> memref<!tpu.dma_semaphore, #tpu.memory_space<semaphore_mem>>
    %dma_wait3A_774 = arith.constant 0 : i32
    %dma_wait3A_775 = tpu.memref_slice %arg4[%add3A_763, %dma_wait3A_774] : memref<204800x64xf32, #tpu.memory_space<hbm>> -> memref<128x64xf32, #tpu.memory_space<hbm>>
    %dma_wait3A_776 = arith.constant 0 : i32
    %dma_wait3A_777 = arith.constant 0 : i32
    %dma_wait3A_778 = tpu.memref_slice %arg6[%dma_wait3A_764, %dma_wait3A_776, %dma_wait3A_777] : memref<12x128x64xf32, #tpu.memory_space<vmem>> -> memref<1x128x64xf32, #tpu.memory_space<vmem>>
    %dma_wait3A_779 = tpu.memref_squeeze %dma_wait3A_778 : memref<1x128x64xf32, #tpu.memory_space<vmem>> -> memref<128x64xf32, #tpu.memory_space<vmem>>
    tpu.wait_dma2 semaphore(%dma_wait3A_773 : memref<!tpu.dma_semaphore, #tpu.memory_space<semaphore_mem>>) src(%dma_wait3A_779 : memref<128x64xf32, #tpu.memory_space<vmem>>) dst(%dma_wait3A_775 : memref<128x64xf32, #tpu.memory_space<hbm>>)
    %add3A_780 = arith.constant 6272 : i32
    %add3A_781 = arith.addi %mul3A_2, %add3A_780 : i32
    %dma_wait3A_782 = arith.constant 1 : i32
    %dma_wait3A_783 = arith.constant 1 : i32
    %dma_wait3A_784 = arith.constant 0 : i32
    %dma_wait3A_785 = arith.constant 0 : i32
    %dma_wait3A_786 = tpu.memref_slice %arg6[%dma_wait3A_782, %dma_wait3A_784, %dma_wait3A_785] : memref<12x128x64xf32, #tpu.memory_space<vmem>> -> memref<1x128x64xf32, #tpu.memory_space<vmem>>
    %dma_wait3A_787 = tpu.memref_squeeze %dma_wait3A_786 : memref<1x128x64xf32, #tpu.memory_space<vmem>> -> memref<128x64xf32, #tpu.memory_space<vmem>>
    %dma_wait3A_788 = arith.constant 0 : i32
    %dma_wait3A_789 = tpu.memref_slice %arg4[%add3A_781, %dma_wait3A_788] : memref<204800x64xf32, #tpu.memory_space<hbm>> -> memref<128x64xf32, #tpu.memory_space<hbm>>
    %dma_wait3A_790 = tpu.memref_slice %arg8[%dma_wait3A_783] : memref<12x!tpu.dma_semaphore, #tpu.memory_space<semaphore_mem>> -> memref<1x!tpu.dma_semaphore, #tpu.memory_space<semaphore_mem>>
    %dma_wait3A_791 = tpu.memref_squeeze %dma_wait3A_790 : memref<1x!tpu.dma_semaphore, #tpu.memory_space<semaphore_mem>> -> memref<!tpu.dma_semaphore, #tpu.memory_space<semaphore_mem>>
    %dma_wait3A_792 = arith.constant 0 : i32
    %dma_wait3A_793 = tpu.memref_slice %arg4[%add3A_781, %dma_wait3A_792] : memref<204800x64xf32, #tpu.memory_space<hbm>> -> memref<128x64xf32, #tpu.memory_space<hbm>>
    %dma_wait3A_794 = arith.constant 0 : i32
    %dma_wait3A_795 = arith.constant 0 : i32
    %dma_wait3A_796 = tpu.memref_slice %arg6[%dma_wait3A_782, %dma_wait3A_794, %dma_wait3A_795] : memref<12x128x64xf32, #tpu.memory_space<vmem>> -> memref<1x128x64xf32, #tpu.memory_space<vmem>>
    %dma_wait3A_797 = tpu.memref_squeeze %dma_wait3A_796 : memref<1x128x64xf32, #tpu.memory_space<vmem>> -> memref<128x64xf32, #tpu.memory_space<vmem>>
    tpu.wait_dma2 semaphore(%dma_wait3A_791 : memref<!tpu.dma_semaphore, #tpu.memory_space<semaphore_mem>>) src(%dma_wait3A_797 : memref<128x64xf32, #tpu.memory_space<vmem>>) dst(%dma_wait3A_793 : memref<128x64xf32, #tpu.memory_space<hbm>>)
    return
  }
}

</mosaic_0001>

<sc_bundles>
// kernel: _gather.3.cloned.1.call-start
scs
__scs_entry_jumppad:
0x0: {  	(pc) =	sbr.rel $0x88, $3  }
0x1: {  	(tag) =	ssettag $0x0;
	lr =	simm.s32 $0x1  }
0x2: {  	[smem:$0x3F9F] =	sst lr;
	_ =	strace $0xD0000000  }
0x3: {  	_ = 	snop  }
0x4: {  	_ = 	snop  }
0x5: {  	_ = 	snop  }
0x6: {  	_ = 	snop  }
0x7: {  	_ = 	snop  }
__scs_overlays_trampoline_lowered:
0x8: {  	[smem:$0x3FAE] =	sst s0  }
0x9: {  	[smem:$0x3FAF] =	sst s1  }
0xa: {  	[smem:$0x3FB0] =	sst s2  }
0xb: {  	[smem:$0x3FB1] =	sst s3  }
0xc: {  	[smem:$0x3FB2] =	sst s4  }
0xd: {  	[smem:$0x3FB3] =	sst s5  }
0xe: {  	[smem:$0x3FB4] =	sst s6  }
0xf: {  	[smem:$0x3FB5] =	sst s7  }
0x10: {  	[smem:$0x3FB6] =	sst s8  }
0x11: {  	[smem:$0x3FB7] =	sst s9;
	s0 =	simm.s32 @!p0 $0x0  }
0x12: {  	s1 =	sld [smem:$0x3F9D];
	s0 =	simm.s32 @p0 $0x1  }
0x13: {  	[smem:$0x3FB8] =	sst s0;
	s0 =	simm.s32 @!p1 $0x0  }
0x14: {  	s2 =	sld [smem:$0x3F9C];
	s0 =	simm.s32 @p1 $0x1  }
0x15: {  	[smem:$0x3FB9] =	sst s0;
	s0 =	simm.s32 @!p2 $0x0  }
0x16: {  	s3 =	sld [smem:$0x3FDB];
	s0 =	simm.s32 @p2 $0x1  }
0x17: {  	s4 =	simm.s32 $0x1BF5;
	[smem:$0x3FBB] =	sst s0  }
0x18: {  	s0 =	sld [smem:$0x3F9E];
	_ =	swait.ge [sflag:s4], $0x0  }
0x19: {  	s7 =	sld [smem:$0x3F9F]  }
0x1a: {  	s8 =	sadd.s32 $0xFFFFE003, lr  }
0x1b: {  	s9 =	sadd.s32 $0xFFFFFEF7, lr;
	s5 =	simm.s32 $0xFFFFFFFF;
	p2 =	slt.u32 s8, $0xFFFFF086  }
0x1c: {  	p1 =	slt.u32 s9, $0xF7A;
	s5 =	simm.s32 @!p2 $0x0  }
0x1d: {  	s5 =	simm.s32 @p1 $0x1;
	p0 =	seq.s32 s7, s2  }
0x1e: {  	s7 =	smul.u32 @!p0 $0xF7A, s2;
	p2 =	seq.s32 @!p0 s5, $0x0  }
0x1f: {  	s9 =	smul.u32 $0xF7A, s1;
	s8 =	simm.s32 @!p0 $0x1BF5;
	p2 =	por !p2, p0  }
0x20: {  	[sflag:s8] =	ssyncset.s32 @!p0 $0xFFFFF086;
	s6 =	sadd.s32 @!p0 s3, s7;
	s7 =	simm.s32 @!p0 $0x108  }
0x21: {  	s3 =	sadd.s32 s3, s9;
	s6 =	sadd.s32 @!p0 $0x88, s6;
	s7 =	simm.s32 @p2 $0x1082  }
0x22: {  	[simem:s7], [sflag:s8] =	dma.local @!p0 [hbm:s6], $0xF7A  }
0x23: {  	s9 =	sor.u32 $0xD0000000, s2;
	s6 =	simm.s32 $0x108;
	_ =	swait.ge @!p0 [sflag:s8], $0x0  }
0x24: {  	s3 =	sadd.s32 $0x88, s3;
	s6 =	simm.s32 @!p1 $0x1082;
	[sflag:s4] =	ssyncset.s32 $0xFFFFF086  }
0x25: {  	[simem:s6], [sflag:s4] =	dma.local [hbm:s3], $0xF7A  }
0x26: {  	[smem:$0x3F9F] =	sst s1;
	(tag) =	ssettag s2;
	_ =	strace s9  }
0x27: {  	s1 =	sld [smem:$0x3FAF]  }
0x28: {  	s2 =	sld [smem:$0x3FB0]  }
0x29: {  	s4 =	sld [smem:$0x3FB2]  }
0x2a: {  	p0 =	seq.s32 s5, $0x0;
	s5 =	sld [smem:$0x3FB3]  }
0x2b: {  	s6 =	sld [smem:$0x3FB4]  }
0x2c: {  	s7 =	sld [smem:$0x3FB5]  }
0x2d: {  	s3 =	simm.s32 $0x108;
	s8 =	sld [smem:$0x3FB6]  }
0x2e: {  	s3 =	simm.s32 @!p0 $0x1082;
	s9 =	sld [smem:$0x3FB7]  }
0x2f: {  	lr =	sadd.s32 s0, s3;
	s0 =	sld [smem:$0x3FAE]  }
0x30: {  	s3 =	sld [smem:$0x3FB1]  }
0x31: {  	[smem:$0x3FBA] =	sst s10  }
0x32: {  	s10 =	sld [smem:$0x3FB8];
	_ =	sdelay $0x3  }
0x33: {  	p0 =	seq.s32 s10, $0x1;
	s10 =	sld [smem:$0x3FBA];
	_ =	sdelay $0x3  }
0x34: {  	[smem:$0x3FBA] =	sst s10  }
0x35: {  	s10 =	sld [smem:$0x3FB9];
	_ =	sdelay $0x3  }
0x36: {  	p1 =	seq.s32 s10, $0x1;
	s10 =	sld [smem:$0x3FBA];
	_ =	sdelay $0x3  }
0x37: {  	[smem:$0x3FBA] =	sst s10  }
0x38: {  	s10 =	sld [smem:$0x3FBB]  }
0x39: {  	_ = 	snop;
	(pc) =	sbr.ind lr, $3  }
0x3a: {  	_ = 	snop  }
0x3b: {  	_ = 	snop  }
0x3c: {  	p2 =	seq.s32 s10, $0x1;
	s10 =	sld [smem:$0x3FBA]  }
0x3d: {  	_ =	shalt  }
0x3e: {  	_ =	shalt  }
0x3f: {  	_ =	shalt  }
0x40: {  	_ =	shalt  }
0x41: {  	_ =	shalt  }
0x42: {  	_ =	shalt  }
0x43: {  	_ =	shalt  }
0x44: {  	_ =	shalt  }
0x45: {  	_ =	shalt  }
0x46: {  	_ =	shalt  }
0x47: {  	_ =	shalt  }
0x48: {  	_ =	shalt  }
0x49: {  	_ =	shalt  }
0x4a: {  	_ =	shalt  }
0x4b: {  	_ =	shalt  }
0x4c: {  	_ =	shalt  }
0x4d: {  	_ =	shalt  }
0x4e: {  	_ =	shalt  }
0x4f: {  	_ =	shalt  }
0x50: {  	_ =	shalt  }
0x51: {  	_ =	shalt  }
0x52: {  	_ =	shalt  }
0x53: {  	_ =	shalt  }
0x54: {  	_ =	shalt  }
0x55: {  	_ =	shalt  }
0x56: {  	_ =	shalt  }
0x57: {  	_ =	shalt  }
0x58: {  	_ =	shalt  }
0x59: {  	_ =	shalt  }
0x5a: {  	_ =	shalt  }
0x5b: {  	_ =	shalt  }
0x5c: {  	_ =	shalt  }
0x5d: {  	_ =	shalt  }
0x5e: {  	_ =	shalt  }
0x5f: {  	_ =	shalt  }
0x60: {  	_ =	shalt  }
0x61: {  	_ =	shalt  }
0x62: {  	_ =	shalt  }
0x63: {  	_ =	shalt  }
0x64: {  	_ =	shalt  }
0x65: {  	_ =	shalt  }
0x66: {  	_ =	shalt  }
0x67: {  	_ =	shalt  }
0x68: {  	_ =	shalt  }
0x69: {  	_ =	shalt  }
0x6a: {  	_ =	shalt  }
0x6b: {  	_ =	shalt  }
0x6c: {  	_ =	shalt  }
0x6d: {  	_ =	shalt  }
0x6e: {  	_ =	shalt  }
0x6f: {  	_ =	shalt  }
0x70: {  	_ =	shalt  }
0x71: {  	_ =	shalt  }
0x72: {  	_ =	shalt  }
0x73: {  	_ =	shalt  }
0x74: {  	_ =	shalt  }
0x75: {  	_ =	shalt  }
0x76: {  	_ =	shalt  }
0x77: {  	_ =	shalt  }
0x78: {  	_ =	shalt  }
0x79: {  	_ =	shalt  }
0x7a: {  	_ =	shalt  }
0x7b: {  	_ =	shalt  }
0x7c: {  	_ =	shalt  }
0x7d: {  	_ =	shalt  }
0x7e: {  	_ =	shalt  }
0x7f: {  	_ =	shalt  }
0x80: {  	_ =	shalt  }
0x81: {  	_ =	shalt  }
0x82: {  	_ =	shalt  }
0x83: {  	_ =	shalt  }
0x84: {  	_ =	shalt  }
0x85: {  	_ =	shalt  }
0x86: {  	_ =	shalt  }
0x87: {  	_ =	shalt  }
.Lfunc_end0:
.L_simem_size_0:
called_computation.1_lowered:
.L_overlay_start_0:
0x88: {  	s2 =	sld [smem:$0x3FD9]  }
0x89: {  	s3 =	sld [smem:$0x3FFE];
	_ =	sdelay $0x1  }
0x8a: {  	s1 =	srdreg.scid  }
0x8b: {  	s0 =	sand.u32 $0x1, s1  }
0x8c: {  	s17 =	sshll.u32 s0, $0xA;
	s2 =	sadd.s32 s3, s2  }
0x8d: {  	s2 =	sadd.s32 s2, s17  }
0x8e: {  	[smem:$0x3FC6] =	sst s2  }
0x8f: {  	_ = 	snop  }
0x90: {  	s2 =	sld [smem:$0x3FD0];
	(tm) =	ssettm $0x1  }
0x91: {  	s18 =	sld [smem:$0x3FFB];
	_ =	sdelay $0x3  }
0x92: {  	_ =	strace s18  }
0x93: {  	s3 =	sld [smem:$0x3FFC];
	_ =	sdelay $0x3  }
0x94: {  	_ =	strace s3  }
0x95: {  	s3 =	sld [smem:$0x3FFD];
	_ =	sdelay $0x3  }
0x96: {  	_ =	strace s3  }
0x97: {  	_ =	strace $0x8FFFFFFF  }
0x98: {  	s19 =	sld [smem:$0x3FDB];
	_ =	sdelay $0x1  }
0x99: {  	s4 =	simm.s32 $_scs_section_size  }
0x9a: {  	s5 =	simm.s32 $_size__tile_overlayer_lowered;
	s6 =	simm.s32 $_tile_overlayer_lowered  }
0x9b: {  	s22 =	simm.s32 $0x1BFF;
	s21 =	sshll.u32 s6, $0x1;
	s3 =	sadd.s32 s4, s19  }
0x9c: {  	s7 =	simm.s32 $0x0;
	s20 =	sshll.u32 s5, $0x1;
	s5 =	sadd.s32 s21, s3  }
0x9d: {  	[timem:s7], [sflag:s22] =	dma.local [hbm:s5], s20  }
0x9e: {  	_ =	swait.ge [sflag:s22], s20  }
0x9f: {  	s4 =	ssub.s32 $0x0, s20;
	[sflag:s22] =	ssyncset.done $0x0  }
0xa0: {  	[sflag:s22] =	ssyncadd.s32 s4;
	_ =	sdelay $0x1  }
0xa1: {  	s23 =	simm.s32 $0x1B8B  }
0xa2: {  	_ =	swait.ge [sflag:s23], $0x1  }
0xa3: {  	[sflag:s23] =	ssyncset.done $0x0  }
0xa4: {  	s25 =	simm.s32 $0x1B8E;
	s24 =	sld [smem:$0x3FFE];
	[sflag:s23] =	ssyncadd.s32 $0xFFFFFFFF  }
0xa5: {  	s26 =	simm.s32 $execute0_lowered;
	[smem:$0x3FD2] =	sst s25  }
0xa6: {  	s5 =	sshll.u32 s26, $0x1;
	_ =	strace $0x80000046;
	[dreg:$0x1] =	wrdreg $0xFFFFFFFF  }
0xa7: {  	s28 =	simm.s32 $_size_execute0_lowered;
	s3 =	sadd.s32 s3, s5;
	[dreg:$0x0] =	wrdreg $0x0  }
0xa8: {  	s5 =	sshll.u32 s28, $0x1;
	[dreg:$0x2] =	wrdreg s3  }
0xa9: {  	[dreg:$0x3] =	wrdreg s5  }
0xaa: {  	[dreg:$0x4] =	wrdreg $0xC0  }
0xab: {  	_ =	task [dreg:s7], $0x5FFFF  }
0xac: {  	[dreg:$0x1] =	wrdreg $0xFFFFFFFF  }
0xad: {  	[dreg:$0x0] =	wrdreg $0x60  }
0xae: {  	[dreg:$0x2] =	wrdreg s24  }
0xaf: {  	[dreg:$0x3] =	wrdreg s2  }
0xb0: {  	[dreg:$0x4] =	wrdreg $0x9  }
0xb1: {  	_ =	task.clear_ibuf [dreg:s7], $0x5FFFF;
	_ =	strace $0x90000046  }
0xb2: {  	s29 =	simm.s32 $0x9;
	_ =	strace $0x80000048  }
0xb3: {  	_ =	swait.ge [sflag:s29], $0x1  }
0xb4: {  	[sflag:s29] =	ssyncadd.s32 $0xFFFFFFFF  }
0xb5: {  	_ =	strace $0x90000048  }
0xb6: {  	_ =	sfence  }
0xb7: {  	s30 =	sld [smem:$0x0];
	_ =	sdelay $0x2  }
0xb8: {  	s31 =	sshll.u32 s1, $0xD;
	s1 =	sshrl.u32 s1, $0x2  }
0xb9: {  	s3 =	sand.u32 $0x4000, s31;
	s1 =	sadd.s32 s1, s30  }
0xba: {  	s0 =	sor.u32 s3, s0;
	s1 =	sshll.u32 s1, $0x11  }
0xbb: {  	s0 =	sor.u32 s1, s0  }
0xbc: {  	s0 =	sadd.s32 $0x8F2B, s0  }
0xbd: {  	[sflag:s0] =	ssyncadd.remote.s32 $0x1  }
0xbe: {  	_ =	sfence.sel $0xFFFF  }
0xbf: {  	[dreg:$0x0] =	wrdreg $0xFFFFFFFF;
	(pc) =	sbr.abs _section_cstart, $3  }
0xc0: {  	[dreg:$0x1] =	wrdreg $0xFFFFFFFF  }
0xc1: {  	_ =	task.clear_ibuf [dreg:s7], $0x2FFFF;
	_ =	strace $0x9FFFFFFF  }
0xc2: {  	(tm) =	ssettm $0x7FFFFFFF  }
0xc3: {  	_ =	shalt  }
tec
execute0_lowered:
.L_overlay_start_1:
0x0: {  	(tag) =	ssettag $0x1  }
0x1: {  	s0 =	srdreg.scid  }
0x2: {  	s10 =	stileid.u32;
	s1 =	rddreg [dreg:$0x0]  }
0x3: {  	s4 =	rddreg [dreg:$0x1];
	s30 =	simm.s32 $0x2;
	s11 =	simm.s32 $0xC  }
0x4: {  	s0 =	sand.u32 $0x1, s0;
	s2 =	sshll.u32 s10, $0x1;
	s17 =	smul.u32 $0xC8000, s10  }
0x5: {  	s3 =	sor.u32 s0, s2;
	s6 =	ssub.s32 $0x2, s0;
	s0 =	smul.u32 $0x64000, s0  }
0x6: {  	s29 =	simm.s32 $0x17;
	s2 =	simm.s32 $0x0;
	s5 =	smul.u32 $0x320, s3  }
0x7: {  	s31 =	simm.s32 $0x18;
	[smem:$0x7FF] =	sst s2;
	s7 =	smul.u32 $0xC800, s3  }
0x8: {  	s8 =	sshrl.u32 s6, $0x1;
	s9 =	smul.u32 $0x64000, s3;
	s3 =	sadd.s32 $0x6C00, s1  }
0x9: {  	_ =	strace $0x80000047;
	s14 =	ssub.s32 s6, s8;
	s0 =	sadd.s32 s0, s17  }
0xa: {  	s17 =	simm.s32 $0x17900;
	s5 =	sadd.s32 s5, s1;
	s15 =	sadd.s32 s4, s7  }
0xb: {  	s16 =	sshrl.u32 s9, $0x3;
	s1 =	smax.u32 s14, $0x1;
	[dreg:$0x4] =	wrdreg s15  }
0xc: {  	s0 =	sadd.s32 $0xC000, s0;
	s5 =	sadd.s32 $0x800, s5;
	[dreg:$0x10] =	wrdreg s1  }
0xd: {  	s6 =	sadd.s32 $0x400, s15;
	[dreg:$0x3] =	wrdreg s5;
	s5 =	sadd.s32 s4, s16  }
0xe: {  	s7 =	simm.s32 $0x3900;
	[dreg:$0x5] =	wrdreg s6;
	s18 =	sadd.s32 $0x800, s5  }
0xf: {  	s14 =	simm.s32 $0x11900;
	s19 =	sadd.s32 $0xC00, s5;
	[dreg:$0x6] =	wrdreg s18  }
0x10: {  	s0 =	sshrl.u32 s0, $0x3;
	s20 =	sadd.s32 $0x1000, s5;
	[dreg:$0x7] =	wrdreg s19  }
0x11: {  	s15 =	simm.s32 $0x13900;
	s21 =	sadd.s32 $0x1400, s5;
	[dreg:$0x8] =	wrdreg s20  }
0x12: {  	s1 =	simm.s32 $0xE;
	s22 =	sadd.s32 $0xB000, s5;
	[dreg:$0x9] =	wrdreg s21  }
0x13: {  	s28 =	sadd.s32 s0, s4;
	s23 =	sadd.s32 $0xB400, s5;
	[dreg:$0xa] =	wrdreg s22  }
0x14: {  	s6 =	simm.s32 $0x1900;
	s24 =	sadd.s32 $0xB800, s5;
	[dreg:$0xb] =	wrdreg s23  }
0x15: {  	s16 =	simm.s32 $0x15900;
	s25 =	sadd.s32 $0xBC00, s5;
	[dreg:$0xc] =	wrdreg s24  }
0x16: {  	s0 =	simm.s32 $0xD;
	s26 =	sadd.s32 $0xC000, s5;
	[dreg:$0xd] =	wrdreg s25  }
0x17: {  	s4 =	simm.s32 $0x0;
	s5 =	sadd.s32 $0xC400, s5;
	[dreg:$0xe] =	wrdreg s26  }
0x18: {  	[dreg:$0xf] =	wrdreg s5;
	s20 =	simm.s32 $0x80;
	s23 =	simm.s32 $0x1  }
.LBB2_1:
0x19: {  	s5 =	rddreg [dreg:$0x3];
	s19 =	simm.s32 $0x19  }
0x1a: {  	[tilespmem:s2], [sflag:$0x19] =	stream.linear.gather [hbm4b:s5+s2], $0x1900, $0x38;
	[tilespmem:$0x19900] =	vst v63  }
0x1b: {  	_ =	swait.ge [sflag:s19], $0x1900  }
0x1c: {  	[sflag:s19] =	ssyncset.done $0x0  }
0x1d: {  	[sflag:s19] =	ssyncadd.s32 $0xFFFFE700  }
0x1e: {  	[tilespmem:s6], [sflag:$0x1] =	stream.indirect.gather [hbm4b:s3+s20], $0x40, s2, s20, $0xb8;
	[tilespmem:$0x19900] =	vst v63  }
0x1f: {  	_ = 	snop  }
0x20: {  	[tilespmem:s7], [sflag:$0x2] =	stream.indirect.gather [hbm4b:s3+s20], $0x40, s20, s20, $0xb8;
	[tilespmem:$0x19900] =	vst v63  }
0x21: {  	s21 =	simm.s32 $0x100;
	s8 =	simm.s32 $0x5900  }
0x22: {  	[tilespmem:s8], [sflag:$0x3] =	stream.indirect.gather [hbm4b:s3+s20], $0x40, s21, s20, $0xb8;
	[tilespmem:$0x19900] =	vst v63  }
0x23: {  	s22 =	simm.s32 $0x180;
	s9 =	simm.s32 $0x7900  }
0x24: {  	[tilespmem:s9], [sflag:$0x4] =	stream.indirect.gather [hbm4b:s3+s20], $0x40, s22, s20, $0xb8;
	[tilespmem:$0x19900] =	vst v63  }
0x25: {  	s24 =	simm.s32 $0x200;
	s10 =	simm.s32 $0x9900  }
0x26: {  	[tilespmem:s10], [sflag:$0x5] =	stream.indirect.gather [hbm4b:s3+s20], $0x40, s24, s20, $0xb8;
	[tilespmem:$0x19900] =	vst v63  }
0x27: {  	s25 =	simm.s32 $0x280;
	s12 =	simm.s32 $0xB900  }
0x28: {  	[tilespmem:s12], [sflag:$0x6] =	stream.indirect.gather [hbm4b:s3+s20], $0x40, s25, s20, $0xb8;
	[tilespmem:$0x19900] =	vst v63  }
0x29: {  	s26 =	simm.s32 $0x300;
	s13 =	simm.s32 $0xD900  }
0x2a: {  	[tilespmem:s13], [sflag:$0x7] =	stream.indirect.gather [hbm4b:s3+s20], $0x40, s26, s20, $0xb8;
	[tilespmem:$0x19900] =	vst v63  }
0x2b: {  	_ =	swait.ge [sflag:s23], $0x2000  }
0x2c: {  	[sflag:s23] =	ssyncset.done $0x0  }
0x2d: {  	s18 =	rddreg [dreg:$0x4];
	[sflag:s23] =	ssyncadd.s32 $0xFFFFE000  }
0x2e: {  	[hbm4b:s18+s2] =	stream.linear.scatter [tilespmem:s6], [sflag:$0xD], $0x2000, $0x38;
	[tilespmem:$0x19900] =	vst v63  }
0x2f: {  	s19 =	simm.s32 $0x380;
	s21 =	simm.s32 $0xF900  }
0x30: {  	[tilespmem:s21], [sflag:$0x8] =	stream.indirect.gather [hbm4b:s3+s20], $0x40, s19, s20, $0xb8;
	[tilespmem:$0x19900] =	vst v63  }
0x31: {  	_ =	swait.ge [sflag:s30], $0x2000  }
0x32: {  	[sflag:s30] =	ssyncset.done $0x0  }
0x33: {  	s22 =	rddreg [dreg:$0x5];
	[sflag:s30] =	ssyncadd.s32 $0xFFFFE000  }
0x34: {  	[hbm4b:s22+s2] =	stream.linear.scatter [tilespmem:s7], [sflag:$0xE], $0x2000, $0x38;
	[tilespmem:$0x19900] =	vst v63  }
0x35: {  	s24 =	simm.s32 $0x400;
	s25 =	simm.s32 $0x3;
	s21 =	smul.u32 $0xAB, s11  }
0x36: {  	[tilespmem:s14], [sflag:$0x9] =	stream.indirect.gather [hbm4b:s3+s20], $0x40, s24, s20, $0xb8;
	[tilespmem:$0x19900] =	vst v63  }
0x37: {  	s13 =	simm.s32 $0x500;
	s6 =	simm.s32 $0x480;
	_ =	swait.ge [sflag:s25], $0x2000  }
0x38: {  	s18 =	simm.s32 $0x6;
	s5 =	sshrl.u32 s21, $0xB;
	[sflag:s25] =	ssyncset.done $0x0  }
0x39: {  	s5 =	sand.u32 $0x1F, s5;
	s26 =	rddreg [dreg:$0x6];
	[sflag:s25] =	ssyncadd.s32 $0xFFFFE000  }
0x3a: {  	[hbm4b:s26+s2] =	stream.linear.scatter [tilespmem:s8], [sflag:$0xF], $0x2000, $0x38;
	[tilespmem:$0x19900] =	vst v63  }
0x3b: {  	s7 =	simm.s32 $0x4;
	s22 =	simm.s32 $0x6;
	s5 =	smul.u32 $0xC, s5  }
0x3c: {  	[tilespmem:s15], [sflag:$0xA] =	stream.indirect.gather [hbm4b:s3+s20], $0x40, s6, s20, $0xb8;
	[tilespmem:$0x19900] =	vst v63  }
0x3d: {  	s21 =	simm.s32 $0x680;
	s6 =	smul.u32 $0x2B, s22;
	_ =	swait.ge [sflag:s7], $0x2000  }
0x3e: {  	s5 =	ssub.s32 $0xC, s5;
	[sflag:s7] =	ssyncset.done $0x0;
	s8 =	rddreg [dreg:$0x7]  }
0x3f: {  	s24 =	sshrl.u32 s6, $0x1F;
	s6 =	sshrl.u32 s6, $0x9;
	[sflag:s7] =	ssyncadd.s32 $0xFFFFE000  }
0x40: {  	[hbm4b:s8+s2] =	stream.linear.scatter [tilespmem:s9], [sflag:$0x10], $0x2000, $0x38;
	[tilespmem:$0x19900] =	vst v63  }
0x41: {  	s14 =	simm.s32 $0x5;
	s5 =	sand.u32 $0xFF, s5;
	s6 =	sadd.s32 s24, s6  }
0x42: {  	[tilespmem:s16], [sflag:$0xB] =	stream.indirect.gather [hbm4b:s3+s20], $0x40, s13, s20, $0xb8;
	[tilespmem:$0x19900] =	vst v63  }
0x43: {  	s26 =	sshll.u32 s5, $0xD;
	s25 =	smul.u32 $0xC, s6;
	_ =	swait.ge [sflag:s14], $0x2000  }
0x44: {  	s22 =	simm.s32 $0xD;
	s7 =	simm.s32 $0x7;
	[sflag:s14] =	ssyncset.done $0x0  }
0x45: {  	s8 =	ssub.s32 $0x6, s25;
	s15 =	rddreg [dreg:$0x8];
	[sflag:s14] =	ssyncadd.s32 $0xFFFFE000  }
0x46: {  	[hbm4b:s15+s2] =	stream.linear.scatter [tilespmem:s10], [sflag:$0x11], $0x2000, $0x38;
	[tilespmem:$0x19900] =	vst v63  }
0x47: {  	s9 =	simm.s32 $0x600;
	s16 =	simm.s32 $0x580;
	s8 =	sshll.u32 s8, $0x18  }
0x48: {  	[tilespmem:s17], [sflag:$0xC] =	stream.indirect.gather [hbm4b:s3+s20], $0x40, s16, s20, $0xb8;
	[tilespmem:$0x19900] =	vst v63  }
0x49: {  	s6 =	smul.u32 $0xAB, s22;
	s25 =	sshra.s32 s8, $0x18;
	_ =	swait.ge [sflag:s18], $0x2000  }
0x4a: {  	s13 =	simm.s32 $0xE;
	s8 =	sshll.u32 s25, $0xF;
	[sflag:s18] =	ssyncset.done $0x0  }
0x4b: {  	s14 =	simm.s32 $0x7000000;
	s19 =	rddreg [dreg:$0x9];
	[sflag:s18] =	ssyncadd.s32 $0xFFFFE000  }
0x4c: {  	[hbm4b:s19+s2] =	stream.linear.scatter [tilespmem:s12], [sflag:$0x12], $0x2000, $0x38;
	[tilespmem:$0x19900] =	vst v63  }
0x4d: {  	s10 =	sadd.s32 $0x1, s5;
	s15 =	sor.u32 $0x1900, s26;
	s12 =	sadd.s32 $0xD, s5  }
0x4e: {  	s8 =	sshra.s32 s8, $0x2;
	s18 =	smov.u32 s28;
	_ =	swait.ge [sflag:s12], $0x2000  }
0x4f: {  	s5 =	sadd.s32 $0x1, s25;
	s19 =	sadd.s32 $0x400, s28;
	[sflag:s12] =	ssyncset.done $0x0  }
.LBB2_2:
0x50: {  	s16 =	smul.u32 $0xAB, s13;
	s17 =	sadd.s32 $0xFFFFFFFA, s13;
	[sflag:s12] =	ssyncadd.s32 $0xFFFFE000  }
0x51: {  	s12 =	smov.u32 s13;
	s24 =	smov.u32 s18;
	s18 =	smov.u32 s19  }
0x52: {  	[tilespmem:s15], [sflag:s10] =	stream.indirect.gather [hbm4b:s3+s20], $0x40, s9, s20, $0xb8;
	[tilespmem:$0x19900] =	vst v63  }
0x53: {  	s6 =	sshrl.u32 s6, $0xB;
	s9 =	sshra.s32 s14, $0x18;
	_ =	swait.ge [sflag:s5], $0x2000  }
0x54: {  	s6 =	sand.u32 $0x1F, s6;
	s9 =	smul.u32 $0x2B, s9;
	[sflag:s5] =	ssyncset.done $0x0  }
0x55: {  	s26 =	sadd.s32 $0x1, s13;
	s6 =	smul.u32 $0xC, s6;
	[sflag:s5] =	ssyncadd.s32 $0xFFFFE000  }
0x56: {  	p0 =	sne.s32 s13, $0x31;
	s5 =	sshrl.u32 s9, $0x1F;
	s9 =	sshrl.u32 s9, $0x9  }
0x57: {  	s10 =	ssub.s32 s22, s6;
	s6 =	smov.u32 s16;
	s5 =	sadd.s32 s5, s9  }
0x58: {  	s22 =	smov.u32 s12;
	s13 =	sand.u32 $0xFF, s10;
	s5 =	smul.u32 $0xC, s5  }
0x59: {  	s9 =	smov.u32 s21;
	s12 =	sadd.s32 $0xD, s13;
	s10 =	sadd.s32 $0x1, s13  }
0x5a: {  	s13 =	sshll.u32 s13, $0xD;
	s5 =	ssub.s32 s7, s5;
	s7 =	smov.u32 s17  }
0x5b: {  	s8 =	sor.u32 $0x1900, s8;
	s19 =	sadd.s32 $0x400, s19;
	s5 =	sshll.u32 s5, $0x18  }
.Ltmp0:
0x5c: {  	s14 =	sadd.s32 $0xD, s25;
	s25 =	sshra.s32 s5, $0x18;
	(pc) =	sbr.rel @p0 .LBB2_2-.Ltmp0, $4  }
0x5d: {  	s21 =	sadd.s32 $0x80, s21;
	s5 =	sadd.s32 $0x1, s25;
	s16 =	sshll.u32 s25, $0xF  }
0x5e: {  	[hbm4b:s24+s2] =	stream.linear.scatter [tilespmem:s8], [sflag:s14], $0x2000, $0x38;
	[tilespmem:$0x19900] =	vst v63  }
0x5f: {  	s15 =	sor.u32 $0x1900, s13;
	s8 =	sshra.s32 s16, $0x2;
	_ =	swait.ge [sflag:s12], $0x2000  }
0x60: {  	s13 =	smov.u32 s26;
	s14 =	sshll.u32 s7, $0x18;
	[sflag:s12] =	ssyncset.done $0x0  }
0x61: {  	[sflag:s12] =	ssyncadd.s32 $0xFFFFE000;
	s6 =	sshrl.u32 s6, $0xB  }
0x62: {  	[tilespmem:s15], [sflag:s10] =	stream.indirect.gather [hbm4b:s3+s20], $0x40, s9, s20, $0xb8;
	[tilespmem:$0x19900] =	vst v63  }
0x63: {  	s8 =	sor.u32 $0x1900, s8;
	s12 =	sshra.s32 s14, $0x18;
	_ =	swait.ge [sflag:s5], $0x2000  }
0x64: {  	s9 =	sand.u32 $0x1F, s6;
	s6 =	smul.u32 $0x2B, s12;
	[sflag:s5] =	ssyncset.done $0x0  }
0x65: {  	s10 =	sadd.s32 $0xD, s25;
	[sflag:s5] =	ssyncadd.s32 $0xFFFFE000;
	s5 =	smul.u32 $0xC, s9  }
0x66: {  	[hbm4b:s18+s2] =	stream.linear.scatter [tilespmem:s8], [sflag:s10], $0x2000, $0x38;
	[tilespmem:$0x19900] =	vst v63  }
0x67: {  	s14 =	sshrl.u32 s6, $0x1F;
	s6 =	sshrl.u32 s6, $0x9;
	s5 =	ssub.s32 s22, s5  }
0x68: {  	s6 =	sadd.s32 s14, s6;
	s5 =	sand.u32 $0xFF, s5  }
0x69: {  	s6 =	smul.u32 $0xC, s6;
	s13 =	sadd.s32 $0xD, s5  }
0x6a: {  	_ =	swait.ge [sflag:s13], $0x2000  }
0x6b: {  	s16 =	ssub.s32 s7, s6;
	s15 =	sshll.u32 s5, $0xD;
	[sflag:s13] =	ssyncset.done $0x0  }
0x6c: {  	s5 =	sadd.s32 $0x1, s5;
	s8 =	sor.u32 $0x1900, s15;
	[sflag:s13] =	ssyncadd.s32 $0xFFFFE000  }
0x6d: {  	[tilespmem:s8], [sflag:s5] =	stream.indirect.gather [hbm4b:s3+s20], $0x40, s21, s20, $0xb8;
	[tilespmem:$0x19900] =	vst v63  }
0x6e: {  	s5 =	sshll.u32 s16, $0x18  }
0x6f: {  	s5 =	sshra.s32 s5, $0x18  }
0x70: {  	s17 =	sadd.s32 $0x1, s5  }
0x71: {  	s18 =	sshll.u32 s5, $0xF;
	_ =	swait.ge [sflag:s17], $0x2000  }
0x72: {  	s22 =	simm.s32 $0x9;
	s7 =	sshra.s32 s18, $0x2;
	[sflag:s17] =	ssyncset.done $0x0  }
0x73: {  	s5 =	sadd.s32 $0xD, s5;
	s21 =	sor.u32 $0x1900, s7;
	[sflag:s17] =	ssyncadd.s32 $0xFFFFE000  }
0x74: {  	[hbm4b:s19+s2] =	stream.linear.scatter [tilespmem:s21], [sflag:s5], $0x2000, $0x38;
	[tilespmem:$0x19900] =	vst v63  }
0x75: {  	_ =	swait.ge [sflag:s22], $0x2000  }
0x76: {  	s25 =	simm.s32 $0xA;
	[sflag:s22] =	ssyncset.done $0x0  }
0x77: {  	s14 =	simm.s32 $0x11900;
	s24 =	rddreg [dreg:$0xa];
	[sflag:s22] =	ssyncadd.s32 $0xFFFFE000  }
0x78: {  	[hbm4b:s24+s2] =	stream.linear.scatter [tilespmem:s14], [sflag:$0x15], $0x2000, $0x38;
	[tilespmem:$0x19900] =	vst v63  }
0x79: {  	_ =	swait.ge [sflag:s25], $0x2000  }
0x7a: {  	s6 =	simm.s32 $0xB;
	[sflag:s25] =	ssyncset.done $0x0  }
0x7b: {  	s15 =	simm.s32 $0x13900;
	s26 =	rddreg [dreg:$0xb];
	[sflag:s25] =	ssyncadd.s32 $0xFFFFE000  }
0x7c: {  	[hbm4b:s26+s2] =	stream.linear.scatter [tilespmem:s15], [sflag:$0x16], $0x2000, $0x38;
	[tilespmem:$0x19900] =	vst v63  }
0x7d: {  	_ =	swait.ge [sflag:s6], $0x2000  }
0x7e: {  	[sflag:s6] =	ssyncset.done $0x0  }
0x7f: {  	s16 =	simm.s32 $0x15900;
	s7 =	rddreg [dreg:$0xc];
	[sflag:s6] =	ssyncadd.s32 $0xFFFFE000  }
0x80: {  	[hbm4b:s7+s2] =	stream.linear.scatter [tilespmem:s16], [sflag:$0x17], $0x2000, $0x38;
	[tilespmem:$0x19900] =	vst v63  }
0x81: {  	_ =	swait.ge [sflag:s11], $0x2000  }
0x82: {  	[sflag:s11] =	ssyncset.done $0x0  }
0x83: {  	s17 =	simm.s32 $0x17900;
	s8 =	rddreg [dreg:$0xd];
	[sflag:s11] =	ssyncadd.s32 $0xFFFFE000  }
0x84: {  	[hbm4b:s8+s2] =	stream.linear.scatter [tilespmem:s17], [sflag:$0x18], $0x2000, $0x38;
	[tilespmem:$0x19900] =	vst v63  }
0x85: {  	_ =	swait.ge [sflag:s23], $0x2000  }
0x86: {  	[sflag:s23] =	ssyncset.done $0x0  }
0x87: {  	s6 =	simm.s32 $0x1900;
	s9 =	rddreg [dreg:$0xe];
	[sflag:s23] =	ssyncadd.s32 $0xFFFFE000  }
0x88: {  	[hbm4b:s9+s2] =	stream.linear.scatter [tilespmem:s6], [sflag:$0xD], $0x2000, $0x38;
	[tilespmem:$0x19900] =	vst v63  }
0x89: {  	_ =	swait.ge [sflag:s30], $0x2000  }
0x8a: {  	s12 =	simm.s32 $0xF;
	[sflag:s30] =	ssyncset.done $0x0  }
0x8b: {  	s7 =	simm.s32 $0x3900;
	s10 =	rddreg [dreg:$0xf];
	[sflag:s30] =	ssyncadd.s32 $0xFFFFE000  }
0x8c: {  	[hbm4b:s10+s2] =	stream.linear.scatter [tilespmem:s7], [sflag:$0xE], $0x2000, $0x38;
	[tilespmem:$0x19900] =	vst v63  }
0x8d: {  	_ =	swait.ge [sflag:s12], $0x2000  }
0x8e: {  	[sflag:s12] =	ssyncset.done $0x0  }
0x8f: {  	s13 =	simm.s32 $0x10;
	[sflag:s12] =	ssyncadd.s32 $0xFFFFE000  }
0x90: {  	_ =	swait.ge [sflag:s13], $0x2000  }
0x91: {  	[sflag:s13] =	ssyncset.done $0x0  }
0x92: {  	s18 =	simm.s32 $0x11;
	[sflag:s13] =	ssyncadd.s32 $0xFFFFE000  }
0x93: {  	_ =	swait.ge [sflag:s18], $0x2000  }
0x94: {  	[sflag:s18] =	ssyncset.done $0x0  }
0x95: {  	s19 =	simm.s32 $0x12;
	[sflag:s18] =	ssyncadd.s32 $0xFFFFE000  }
0x96: {  	_ =	swait.ge [sflag:s19], $0x2000  }
0x97: {  	[sflag:s19] =	ssyncset.done $0x0  }
0x98: {  	s21 =	simm.s32 $0x13;
	[sflag:s19] =	ssyncadd.s32 $0xFFFFE000  }
0x99: {  	_ =	swait.ge [sflag:s21], $0x2000  }
0x9a: {  	[sflag:s21] =	ssyncset.done $0x0  }
0x9b: {  	s22 =	simm.s32 $0x14;
	[sflag:s21] =	ssyncadd.s32 $0xFFFFE000  }
0x9c: {  	_ =	swait.ge [sflag:s22], $0x2000  }
0x9d: {  	[sflag:s22] =	ssyncset.done $0x0  }
0x9e: {  	s24 =	simm.s32 $0x15;
	[sflag:s22] =	ssyncadd.s32 $0xFFFFE000  }
0x9f: {  	_ =	swait.ge [sflag:s24], $0x2000  }
0xa0: {  	[sflag:s24] =	ssyncset.done $0x0  }
0xa1: {  	s25 =	simm.s32 $0x16;
	[sflag:s24] =	ssyncadd.s32 $0xFFFFE000  }
0xa2: {  	_ =	swait.ge [sflag:s25], $0x2000  }
0xa3: {  	[sflag:s25] =	ssyncset.done $0x0  }
0xa4: {  	[sflag:s25] =	ssyncadd.s32 $0xFFFFE000  }
0xa5: {  	_ =	swait.ge [sflag:s29], $0x2000  }
0xa6: {  	[sflag:s29] =	ssyncset.done $0x0  }
0xa7: {  	[sflag:s29] =	ssyncadd.s32 $0xFFFFE000  }
0xa8: {  	_ =	swait.ge [sflag:s31], $0x2000  }
0xa9: {  	[sflag:s31] =	ssyncset.done $0x0  }
0xaa: {  	[sflag:s31] =	ssyncadd.s32 $0xFFFFE000  }
0xab: {  	_ =	swait.ge [sflag:s0], $0x2000  }
0xac: {  	[sflag:s0] =	ssyncset.done $0x0  }
0xad: {  	[sflag:s0] =	ssyncadd.s32 $0xFFFFE000  }
0xae: {  	_ =	swait.ge [sflag:s1], $0x2000  }
0xaf: {  	s4 =	sadd.s32 $0x1, s4;
	s26 =	rddreg [dreg:$0x10]  }
0xb0: {  	p0 =	sne.s32 s4, s26  }
.Ltmp1:
0xb1: {  	_ = 	snop;
	(pc) =	sbr.rel @p0 .LBB2_1-.Ltmp1, $3  }
0xb2: {  	_ =	sdelay $0x1  }
0xb3: {  	[sflag:s1] =	ssyncset.done $0x0  }
0xb4: {  	[sflag:s1] =	ssyncadd.s32 $0xFFFFE000  }
0xb5: {  	_ =	sfence.sel $0x180000  }
0xb6: {  	[bflag:$0x0] =	sbarrier.arrive $0xFFFF  }
0xb7: {  	_ =	strace $0x90000047  }
0xb8: {  	s0 =	stileid.u32;
	[bflag:$0x2] =	sbarrier.arrive $0xFFFF  }
0xb9: {  	p0 =	sne.s32 s0, $0x0;
	s0 =	rddreg [dreg:$0x2]  }
0xba: {  	s0 =	sadd.s32 @!p0 $0x100000, s0  }
0xbb: {  	[sflag:s0] =	ssyncadd.tile.s32 @!p0 $0x1;
	_ =	shalt  }
.Lfunc_end2:
_tile_overlayer_lowered:
.L_overlay_start_2:
0xbc: {  	(tag) =	ssettag $0x2  }
0xbd: {  	s0 =	rddreg [dreg:$0x0];
	s2 =	stileid.u32  }
0xbe: {  	s1 =	rddreg [dreg:$0x1];
	p0 =	sne.s32 s2, $0x0  }
0xbf: {  	s3 =	rddreg [dreg:$0x2];
	[bflag:$0x3] =	sbarrier.arrive $0xFFFF;
	s2 =	simm.s32 @!p0 $0x1C19  }
0xc0: {  	[timem:s3], [sflag:s2] =	dma.local @!p0 [hbm:s0], s1  }
0xc1: {  	s0 =	simm.s32 @!p0 $0x19  }
0xc2: {  	_ =	swait.ge @!p0 [sflag:s0], s1  }
0xc3: {  	s1 =	ssub.s32 @!p0 $0x0, s1;
	[sflag:s0] =	ssyncset.done @!p0 $0x0  }
0xc4: {  	[sflag:s0] =	ssyncadd.s32 @!p0 s1  }
0xc5: {  	[bflag:$0x3] =	sbarrier.arrive $0xFFFF  }
0xc6: {  	_ =	shalt  }

// kernel: sparse-core-data-format-call.cloned.1.call-start
scs
called_computation_lowered:
.L_overlay_start_0:
0x0: {  	s2 =	sld [smem:$0x3FD9]  }
0x1: {  	s3 =	sld [smem:$0x3FFE];
	_ =	sdelay $0x1  }
0x2: {  	s1 =	srdreg.scid  }
0x3: {  	s0 =	sand.u32 $0x1, s1  }
0x4: {  	s18 =	sshll.u32 s0, $0xA;
	s2 =	sadd.s32 s3, s2  }
0x5: {  	s2 =	sadd.s32 s2, s18  }
0x6: {  	[smem:$0x3FC6] =	sst s2  }
0x7: {  	_ = 	snop  }
0x8: {  	s2 =	sld [smem:$0x3FD0];
	(tm) =	ssettm $0x1  }
0x9: {  	s19 =	sld [smem:$0x3FFB];
	_ =	sdelay $0x3  }
0xa: {  	_ =	strace s19  }
0xb: {  	s3 =	sld [smem:$0x3FFC];
	_ =	sdelay $0x3  }
0xc: {  	_ =	strace s3  }
0xd: {  	s3 =	sld [smem:$0x3FFD];
	_ =	sdelay $0x3  }
0xe: {  	_ =	strace s3  }
0xf: {  	_ =	strace $0x8FFFFFFF  }
0x10: {  	s20 =	sld [smem:$0x3FDB];
	_ =	sdelay $0x1  }
0x11: {  	s4 =	simm.s32 $_scs_section_size  }
0x12: {  	s5 =	simm.s32 $_size__tile_overlayer_lowered;
	s6 =	simm.s32 $_tile_overlayer_lowered  }
0x13: {  	s23 =	simm.s32 $0x1BFF;
	s22 =	sshll.u32 s6, $0x1;
	s3 =	sadd.s32 s4, s20  }
0x14: {  	s7 =	simm.s32 $0x0;
	s21 =	sshll.u32 s5, $0x1;
	s5 =	sadd.s32 s22, s3  }
0x15: {  	[timem:s7], [sflag:s23] =	dma.local [hbm:s5], s21  }
0x16: {  	_ =	swait.ge [sflag:s23], s21  }
0x17: {  	s4 =	ssub.s32 $0x0, s21;
	[sflag:s23] =	ssyncset.done $0x0  }
0x18: {  	[sflag:s23] =	ssyncadd.s32 s4;
	_ =	sdelay $0x1  }
0x19: {  	s24 =	simm.s32 $0x1B8B  }
0x1a: {  	_ =	swait.ge [sflag:s24], $0x1  }
0x1b: {  	[sflag:s24] =	ssyncset.done $0x0  }
0x1c: {  	s26 =	simm.s32 $0x1B8E;
	s25 =	sld [smem:$0x3FFE];
	[sflag:s24] =	ssyncadd.s32 $0xFFFFFFFF  }
0x1d: {  	s27 =	simm.s32 $execute0_lowered;
	[smem:$0x3FD2] =	sst s26  }
0x1e: {  	s5 =	sshll.u32 s27, $0x1;
	_ =	strace $0x80000049;
	[dreg:$0x1] =	wrdreg $0xFFFFFFFF  }
0x1f: {  	s28 =	simm.s32 $_size_execute0_lowered;
	s3 =	sadd.s32 s3, s5;
	[dreg:$0x0] =	wrdreg $0x0  }
0x20: {  	s5 =	sshll.u32 s28, $0x1;
	[dreg:$0x2] =	wrdreg s3  }
0x21: {  	[dreg:$0x3] =	wrdreg s5  }
0x22: {  	[dreg:$0x4] =	wrdreg $0xC0  }
0x23: {  	_ =	task [dreg:s7], $0x5FFFF  }
0x24: {  	[dreg:$0x1] =	wrdreg $0xFFFFFFFF  }
0x25: {  	[dreg:$0x0] =	wrdreg $0x60  }
0x26: {  	[dreg:$0x2] =	wrdreg s25  }
0x27: {  	[dreg:$0x3] =	wrdreg s2  }
0x28: {  	[dreg:$0x4] =	wrdreg $0x9  }
0x29: {  	_ =	task.clear_ibuf [dreg:s7], $0x5FFFF;
	_ =	strace $0x90000049  }
0x2a: {  	s29 =	simm.s32 $0x9;
	_ =	strace $0x8000004B  }
0x2b: {  	_ =	swait.ge [sflag:s29], $0x1  }
0x2c: {  	[sflag:s29] =	ssyncadd.s32 $0xFFFFFFFF  }
0x2d: {  	_ =	strace $0x9000004B  }
0x2e: {  	_ =	sfence  }
0x2f: {  	s30 =	sld [smem:$0x0];
	_ =	sdelay $0x2  }
0x30: {  	s31 =	sshll.u32 s1, $0xD;
	s1 =	sshrl.u32 s1, $0x2  }
0x31: {  	s3 =	sand.u32 $0x4000, s31;
	s1 =	sadd.s32 s1, s30  }
0x32: {  	s0 =	sor.u32 s3, s0;
	s1 =	sshll.u32 s1, $0x11  }
0x33: {  	s0 =	sor.u32 s1, s0  }
0x34: {  	s0 =	sadd.s32 $0x8F2B, s0  }
0x35: {  	[sflag:s0] =	ssyncadd.remote.s32 $0x1  }
0x36: {  	_ =	sfence.sel $0xFFFF  }
0x37: {  	[dreg:$0x0] =	wrdreg $0xFFFFFFFF;
	(pc) =	sbr.abs _section_cstart, $3  }
0x38: {  	[dreg:$0x1] =	wrdreg $0xFFFFFFFF  }
0x39: {  	_ =	task.clear_ibuf [dreg:s7], $0x2FFFF;
	_ =	strace $0x9FFFFFFF  }
0x3a: {  	(tm) =	ssettm $0x7FFFFFFF  }
0x3b: {  	_ =	shalt  }
tec
execute0_lowered:
.L_overlay_start_1:
0x0: {  	(tag) =	ssettag $0x1  }
0x1: {  	s0 =	srdreg.scid  }
0x2: {  	s1 =	sshll.u32 s0, $0x4  }
0x3: {  	s4 =	rddreg [dreg:$0x0];
	s0 =	stileid.u32;
	s1 =	sand.u32 $0x10, s1  }
0x4: {  	s2 =	rddreg [dreg:$0x1];
	s7 =	simm.s32 $0x1;
	s1 =	sor.u32 s0, s1  }
0x5: {  	s8 =	simm.s32 $0x2;
	s11 =	simm.s32 $0x0;
	s3 =	sshll.u32 s1, $0x7  }
0x6: {  	s10 =	simm.s32 $0x0;
	s4 =	sadd.s32 $0x800, s4;
	s6 =	ssub.s32 $0x32000, s3  }
.Ltmp0:
0x7: {  	s1 =	rddreg [dreg:$0x2];
	s5 =	sand.u32 $0xF80, s6;
	(pc) =	sbr.rel .LBB1_1-.Ltmp0, $4  }
0x8: {  	_ =	strace $0x8000004A;
	s9 =	smov.u32 s3;
	p0 =	sne.s32 s5, $0x0  }
0x9: {  	s6 =	sshrl.u32 s6, $0xC;
	s5 =	simm.s32 $0x1;
	s7 =	simm.s32 @!p0 $0x0  }
0xa: {  	[sflag:s5] =	ssyncpa.u1 $0x0;
	p0 =	por $0x0, $0x0;
	s6 =	sadd.s32 s7, s6  }
0xb: {  	[sflag:s8] =	ssyncpa.u1 $0x0;
	s8 =	simm.s32 $0x190000;
	s7 =	sadd.s32 $0x1, s6  }
.LBB1_4:
0xc: {  	s14 =	sshll.u32 s11, $0x3  }
0xd: {  	s30 =	sand.u32 $0x7F, s11;
	s15 =	sand.u32 $0xFFFFFC00, s14  }
0xe: {  	s11 =	sor.u32 s30, s15  }
0xf: {  	s15 =	smulhi.u32 $0x51EB851F, s11  }
0x10: {  	s14 =	smulhi.u32 $0x51EB851F, s14  }
0x11: {  	s15 =	sshrl.u32 s15, $0x10  }
0x12: {  	s14 =	sshrl.u32 s14, $0x10;
	s15 =	smul.u32 $0x32000, s15  }
0x13: {  	s14 =	sand.u32 $0x3F, s14  }
0x14: {  	s14 =	smul.u32 $0x6400, s14;
	s11 =	ssub.s32 s11, s15  }
0x15: {  	[tilespmem:s13+$0x810 ss:$0x81] =	vst.msk $0xffff, v2;
	s15 =	sand.u32 $0x7, s11  }
0x16: {  	[tilespmem:s13+$0x1020 ss:$0x81] =	vst.msk $0xffff, v0;
	s14 =	sadd.s32 s2, s14;
	s11 =	sshrl.u32 s11, $0x3;
	s15 =	sshll.u32 s15, $0x12  }
0x17: {  	[tilespmem:s13+$0x0 ss:$0x81] =	vst.msk $0xffff, v1;
	s11 =	sadd.s32 s11, s14;
	s31 =	sor.u32 $0x400, s15  }
0x18: {  	[hbm4b:s11+s31] =	stream.strided.scatter [tilespmem:s12], [sflag:$0x2], $0x2000, s8, s31, $0x20;
	[tilespmem:$0x8080] =	vst v63  }
.LBB1_5:
0x19: {  	s13 =	sadd.s32 $0x1000, s9  }
0x1a: {  	p2 =	sgt.s32 s13, $0x31FFF  }
0x1b: {  	s13 =	smov.u32 @p2 s3;
	p2 =	sne.s32 s10, s7  }
.Ltmp1:
0x1c: {  	p1 =	slt.u32 s10, $0x2;
	(pc) =	sbr.rel @!p2 .LBB1_6-.Ltmp1, $4  }
0x1d: {  	s12 =	simm.s32 @!p1 $0x2  }
0x1e: {  	s14 =	sadd.s32 $0x1, s10;
	_ =	swait.ge @!p1 [sflag:s12], $0x2000  }
0x1f: {  	s11 =	smov.u32 s9;
	p0 =	por !p0, !p0;
	[sflag:s12] =	ssyncset.done @!p1 $0x0  }
0x20: {  	s10 =	smov.u32 s14;
	s9 =	smov.u32 s13;
	[sflag:s12] =	ssyncadd.s32 @!p1 $0xFFFFE000  }
.LBB1_1:
0x21: {  	p1 =	sge.u32 s10, s6  }
0x22: {  	s12 =	sand.u32 @!p1 $0x1FFFFFF, s9  }
0x23: {  	s13 =	smulhi.u32 @!p1 $0x147AE15, s12;
	_ =	sdelay $0x1  }
0x24: {  	s13 =	sshrl.u32 @!p1 s13, $0xA  }
0x25: {  	s13 =	smul.u32 @!p1 $0x32000, s13;
	_ =	sdelay $0x1  }
0x26: {  	s31 =	sadd.s32 $0xFFFFFFFF, s10;
	s14 =	sxor.u32 @!p1 $0xFFFFFFFF, s10;
	s12 =	ssub.s32 @!p1 s12, s13  }
0x27: {  	s15 =	simm.s32 @!p1 $0x80;
	s14 =	sshll.u32 @!p1 s14, $0xD;
	s12 =	sshll.u32 @!p1 s12, $0x4  }
0x28: {  	s13 =	sand.u32 @!p1 $0x2000, s14;
	s14 =	simm.s32 @!p1 $0x40;
	s12 =	sadd.s32 @!p1 s4, s12  }
0x29: {  	[tilespmem:s13], [sflag:$0x1] =	stream.strided.gather @!p1 [hbm4b:s12+s14], $0x2000, s15, s14, $0x38;
	[tilespmem:$0x8080] =	vst v63  }
0x2a: {  	p1 =	sge.u32 s31, s6  }
.Ltmp2:
0x2b: {  	_ = 	snop;
	(pc) =	sbr.rel @p1 .LBB1_5-.Ltmp2, $1  }
0x2c: {  	_ =	sdelay $0x3  }
0x2d: {  	s12 =	simm.s32 $0x1  }
0x2e: {  	_ =	swait.ge [sflag:s5], $0x2000;
	s12 =	simm.s32 @!p0 $0x0  }
0x2f: {  	[sflag:s5] =	ssyncset.done $0x0;
	s13 =	sshll.u32 s12, $0xD  }
0x30: {  	[sflag:s5] =	ssyncadd.s32 $0xFFFFE000;
	s16 =	sor.u32 $0x20, s13  }
0x31: {  	s12 =	smul.u32 $0x8100, s12;
	v3 =	vld [tilespmem:s16+$0x10]  }
0x32: {  	s30 =	sand.u32 $0x1, s10;
	v2 =	vld [tilespmem:s16+$0xFFFFFFF0]  }
0x33: {  	s13 =	smul.u32 $0x8100, s30;
	s12 =	sshrl.u32 s12, $0x2;
	v0 =	vld [tilespmem:s16+$0x0]  }
0x34: {  	v1 =	vld [tilespmem:s16+$0xFFFFFFE0];
	s14 =	sor.u32 $0x4000, s12  }
0x35: {  	s31 =	sshrl.u32 s13, $0x2;
	s13 =	sadd.s32 $0x0, s14  }
0x36: {  	s15 =	simm.s32 $0x4;
	s16 =	sadd.s32 $0x40, s16;
	s12 =	sor.u32 $0x4000, s31;
	[tilespmem:s13+$0x1830 ss:$0x81] =	vst.msk $0xffff, v3  }
.LBB1_3:
0x37: {  	v3 =	vld [tilespmem:s16+$0x10];
	p1 =	sne.s32 s15, $0x1FC;
	[tilespmem:s13+$0x810 ss:$0x81] =	vst.msk $0xffff, v2;
	s17 =	smov.u32 s15;
	s15 =	sadd.s32 $0x4, s15  }
.Ltmp3:
0x38: {  	v2 =	vld [tilespmem:s16+$0xFFFFFFF0];
	[tilespmem:s13+$0x1020 ss:$0x81] =	vst.msk $0xffff, v0;
	(pc) =	sbr.rel @p1 .LBB1_3-.Ltmp3, $4  }
0x39: {  	v0 =	vld [tilespmem:s16+$0x0];
	[tilespmem:s13+$0x0 ss:$0x81] =	vst.msk $0xffff, v1  }
0x3a: {  	s13 =	sshra.s32 s17, $0x2;
	v1 =	vld [tilespmem:s16+$0xFFFFFFE0]  }
0x3b: {  	s13 =	sadd.s32 s13, s14  }
0x3c: {  	s16 =	sadd.s32 $0x40, s16;
	[tilespmem:s13+$0x1830 ss:$0x81] =	vst.msk $0xffff, v3  }
.Ltmp4:
0x3d: {  	_ = 	snop;
	(pc) =	sbr.rel .LBB1_4-.Ltmp4, $1  }
0x3e: {  	_ =	sdelay $0x3  }
.LBB1_6:
0x3f: {  	_ =	sfence.sel $0x180000  }
0x40: {  	s2 =	simm.s32 $0x1;
	[bflag:$0x0] =	sbarrier.arrive $0xFFFF  }
0x41: {  	s31 =	simm.s32 $0x2;
	[sflag:s2] =	ssyncpa.u1 $0x1  }
0x42: {  	[sflag:s31] =	ssyncpa.u1 $0x1  }
0x43: {  	p0 =	sne.s32 s0, $0x0;
	_ =	strace $0x9000004A  }
0x44: {  	s0 =	sadd.s32 @!p0 $0x100000, s1;
	[bflag:$0x2] =	sbarrier.arrive $0xFFFF  }
0x45: {  	[sflag:s0] =	ssyncadd.tile.s32 @!p0 $0x1;
	_ =	shalt  }
.Lfunc_end1:
_tile_overlayer_lowered:
.L_overlay_start_2:
0x46: {  	(tag) =	ssettag $0x2  }
0x47: {  	s0 =	rddreg [dreg:$0x0];
	s2 =	stileid.u32  }
0x48: {  	s1 =	rddreg [dreg:$0x1];
	p0 =	sne.s32 s2, $0x0  }
0x49: {  	s3 =	rddreg [dreg:$0x2];
	[bflag:$0x3] =	sbarrier.arrive $0xFFFF;
	s2 =	simm.s32 @!p0 $0x1C01  }
0x4a: {  	[timem:s3], [sflag:s2] =	dma.local @!p0 [hbm:s0], s1  }
0x4b: {  	s0 =	simm.s32 @!p0 $0x1  }
0x4c: {  	_ =	swait.ge @!p0 [sflag:s0], s1  }
0x4d: {  	s1 =	ssub.s32 @!p0 $0x0, s1;
	[sflag:s0] =	ssyncset.done @!p0 $0x0  }
0x4e: {  	[sflag:s0] =	ssyncadd.s32 @!p0 s1  }
0x4f: {  	[bflag:$0x3] =	sbarrier.arrive $0xFFFF  }
0x50: {  	_ =	shalt  }

</sc_bundles>
